<compile_context>
chip_gen: v7x
topology: tpu7x:2x2x1
jax: 0.10.2.dev20260603
libtpu: 0.0.44.dev20260713+nightly
codegen_flags: <defaults>
</compile_context>

<pallas_src>
import numpy as np
import jax
import jax.numpy as jnp
from jax import lax
from jax.experimental import pallas as pl
from jax.experimental.pallas import tpu as pltpu
from jax.experimental.pallas import tpu_sc as plsc

_HASH_PRIMES = [2654435761, 2246822519, 3266489917, 2028178513, 1220703125,
                1610612741, 805306457, 402653189, 3674653429, 2860486313,
                1073676287, 2971215073, 1500450271, 3267000013, 2654435789,
                4049292737, 2246822531, 3266489927, 2028178519, 1220703133]

_B, _T = 16, 2048
_STATE = 256
_HEADS = 4
_BITS = 16
_BUCKETS = 131072
_KEYBITS = 17
_EMB = 32
_N = _B * _T
_NROWS = _N * _HEADS
_HPAD = 8

_PBIG = np.zeros((_HEADS * _BITS, 128), np.float32)
_POWT = np.zeros((_HPAD, 128), np.float32)
for _h in range(_HEADS):
    for _i in range(_BITS):
        _p = _HASH_PRIMES[(_h * 3 + _i) % len(_HASH_PRIMES)] & (_BUCKETS - 1)
        for _j in range(_KEYBITS):
            if (_p >> _j) & 1:
                _PBIG[_h * _BITS + _i, _h * _KEYBITS + _j] = 1.0
    for _j in range(_KEYBITS):
        _POWT[_h, _h * _KEYBITS + _j] = float(1 << _j)
_OFFT = np.zeros((_HPAD, 128), np.float32)
for _h in range(_HEADS):
    _OFFT[_h, :] = float(_h * _BUCKETS)

_BLK = 2048


def _Z():
    return jnp.int32(0)


def _keys_body(x_ref, wp_ref, bp_ref, pb_ref, pwt_ref, offt_ref, out_ref):
    x = x_ref[...]
    p = jnp.dot(x, wp_ref[...], preferred_element_type=jnp.float32)
    p = p + bp_ref[...]
    bits = (p > 0).astype(jnp.float32)
    counts = jnp.dot(bits, pb_ref[...],
                     preferred_element_type=jnp.float32)
    par = counts - 2.0 * jnp.floor(counts * 0.5)
    par_t = jnp.transpose(par, (1, 0))
    key_t = jnp.dot(pwt_ref[...], par_t,
                    preferred_element_type=jnp.float32)
    idx_t = key_t + offt_ref[...][:, :1]
    out_ref[...] = idx_t.astype(jnp.int32)


def _compute_keys(x, Wp, bp):
    grid = _N // _BLK
    return pl.pallas_call(
        _keys_body,
        grid=(grid,),
        in_specs=[
            pl.BlockSpec((_BLK, _STATE), lambda i: (i, _Z())),
            pl.BlockSpec((_STATE, _HEADS * _BITS), lambda i: (_Z(), _Z())),
            pl.BlockSpec((1, _HEADS * _BITS), lambda i: (_Z(), _Z())),
            pl.BlockSpec((_HEADS * _BITS, 128), lambda i: (_Z(), _Z())),
            pl.BlockSpec((_HPAD, 128), lambda i: (_Z(), _Z())),
            pl.BlockSpec((_HPAD, 128), lambda i: (_Z(), _Z())),
        ],
        out_specs=pl.BlockSpec((_HPAD, _BLK), lambda i: (_Z(), i)),
        out_shape=jax.ShapeDtypeStruct((_HPAD, _N), jnp.int32),
    )(x, Wp, bp.reshape(1, -1), jnp.asarray(_PBIG), jnp.asarray(_POWT),
      jnp.asarray(_OFFT))


_GATHER_W = 128
_NW = 32
_TOK_W = _N // _NW
_J_W = _TOK_W // _GATHER_W


def _gather_body(table_hbm, idx_hbm, out_hbm, idx_v, buf_v, sem):
    wid = lax.axis_index("s") * 2 + lax.axis_index("c")
    tbase = wid * _TOK_W
    for h in range(_HEADS):
        pltpu.sync_copy(idx_hbm.at[jnp.int32(h), pl.ds(tbase, _TOK_W)],
                        idx_v.at[pl.ds(h * _TOK_W, _TOK_W)])

    for h in range(_HEADS):
        def step(j, carry, h=h):
            idx_row = idx_v.at[pl.ds(h * _TOK_W + j * _GATHER_W, _GATHER_W)]
            pltpu.async_copy(table_hbm.at[idx_row], buf_v, sem).wait()
            pltpu.sync_copy(
                buf_v,
                out_hbm.at[jnp.int32(h), pl.ds(tbase + j * _GATHER_W, _GATHER_W)])
            return carry

        lax.fori_loop(jnp.int32(0), jnp.int32(_J_W), step, jnp.int32(0))


def _gather(flat_table, idx_t):
    run = pl.kernel(
        _gather_body,
        mesh=plsc.VectorSubcoreMesh(core_axis_name="c", subcore_axis_name="s"),
        out_type=jax.ShapeDtypeStruct((_HEADS, _N, _EMB), jnp.float32),
        scratch_types=[
            pltpu.VMEM((_HEADS * _TOK_W,), jnp.int32),
            pltpu.VMEM((_GATHER_W, _EMB), jnp.float32),
            pltpu.SemaphoreType.DMA,
        ],
        compiler_params=pltpu.CompilerParams(use_tc_tiling_on_sc=False),
    )
    return run(flat_table, idx_t)


def _out_body(e_ref, wo_ref, bo_ref, y_ref):
    e = e_ref[...]
    wo = wo_ref[...]
    acc = jnp.dot(e[0], wo[0 * _EMB:1 * _EMB, :],
                  preferred_element_type=jnp.float32)
    for h in range(1, _HEADS):
        acc = acc + jnp.dot(e[h], wo[h * _EMB:(h + 1) * _EMB, :],
                            preferred_element_type=jnp.float32)
    y_ref[...] = acc + bo_ref[...]


def _out_proj(rows3, Wo, bo):
    grid = _N // _BLK
    return pl.pallas_call(
        _out_body,
        grid=(grid,),
        in_specs=[
            pl.BlockSpec((_HEADS, _BLK, _EMB), lambda i: (_Z(), i, _Z())),
            pl.BlockSpec((_HEADS * _EMB, _STATE), lambda i: (_Z(), _Z())),
            pl.BlockSpec((1, _STATE), lambda i: (_Z(), _Z())),
        ],
        out_specs=pl.BlockSpec((_BLK, _STATE), lambda i: (i, _Z())),
        out_shape=jax.ShapeDtypeStruct((_N, _STATE), jnp.float32),
    )(rows3, Wo, bo.reshape(1, -1))


def kernel(scan_state, chars, Wp, bp, tables, Wo, bo):
    del chars
    x = scan_state.reshape(_N, _STATE)
    idx_t = _compute_keys(x, Wp, bp)
    flat_table = tables.reshape(_HEADS * _BUCKETS, _EMB)
    rows3 = _gather(flat_table, idx_t)
    y = _out_proj(rows3, Wo, bo)
    return y.reshape(_B, _T, _STATE)

# --- scband reference (transcript-rebuilt; emitter-appended) ---
"""Pipeline reference for scband-state-addressed-memory-29910152249493 (READ-ONLY COPY).

The authoritative reference and input builder live on the scoring server;
editing this copy changes nothing except your own understanding.
"""

import jax, jax.numpy as jnp
import numpy as np

jax.config.update("jax_enable_x64", True)

HASH_PRIMES = [2654435761, 2246822519, 3266489917, 2028178513, 1220703125, 1610612741, 805306457, 402653189, 3674653429, 2860486313, 1073676287, 2971215073, 1500450271, 3267000013, 2654435789, 4049292737, 2246822531, 3266489927, 2028178519, 1220703133]

B, T = 16, 2048
STATE_DIM = 256
HEADS = 4
BITS = 16
BUCKETS = 131072
EMB = 32


def setup_inputs(seed: int = 0) -> dict:
    key = jax.random.key(seed)
    k1, k2, k3, k4, k5 = jax.random.split(key, 5)
    scan_state = jax.random.normal(k1, (B, T, STATE_DIM), dtype=jnp.float32)
    chars = jax.random.randint(k2, (B, T), 0, 1024, dtype=jnp.int64)
    # state_proj: Linear(state_dim, quant_bits * heads)
    Wp = (jax.random.normal(k3, (STATE_DIM, BITS * HEADS), dtype=jnp.float32) * 0.02)
    bp = jnp.zeros((BITS * HEADS,), dtype=jnp.float32)
    # memory tables: heads x [buckets, embed_dim], init normal std=0.02
    tables = jax.random.normal(k4, (HEADS, BUCKETS, EMB), dtype=jnp.float32) * 0.02
    # out_proj: Linear(heads * embed_dim, state_dim)
    Wo = (jax.random.normal(k5, (HEADS * EMB, STATE_DIM), dtype=jnp.float32) * 0.02)
    bo = jnp.zeros((STATE_DIM,), dtype=jnp.float32)
    return {"scan_state": scan_state, "chars": chars, "Wp": Wp, "bp": bp, "tables": tables, "Wo": Wo, "bo": bo}


def _quantize_to_key(ph, head_idx):
    # sign-bit quantization (quant_mode='sign', sam_2bit=False)
    bits = (ph > 0).astype(jnp.int64)  # [B, T, BITS]
    key = jnp.zeros(ph.shape[:2], dtype=jnp.int64)
    for i in range(BITS):
        prime = HASH_PRIMES[(head_idx * 3 + i) % len(HASH_PRIMES)]
        key = jnp.bitwise_xor(key, bits[:, :, i] * prime)
    return key % BUCKETS


def reference(scan_state, chars, Wp, bp, tables, Wo, bo):
    # chars unused in 'sign' quant mode (kept for signature fidelity)
    projected = scan_state @ Wp + bp  # [B, T, BITS*HEADS]
    head_outputs = []
    for h in range(HEADS):
        ph = projected[:, :, h * BITS:(h + 1) * BITS]
        key = _quantize_to_key(ph, h)
        # eval-mode soft lookup: plain embedding gather
        emb = jnp.take(tables[h], key, axis=0)  # [B, T, EMB]
        head_outputs.append(emb)
    combined = jnp.concatenate(head_outputs, axis=-1)  # [B, T, HEADS*EMB]
    return combined @ Wo + bo  # [B, T, STATE_DIM]

if __name__ == "__main__":
    import jax
    _d = setup_inputs()
    print(jax.jit(kernel)(*tuple(_d.values())))

</pallas_src>

<mosaic_0001>
#map = affine_map<(d0, d1) -> (0, 0)>
#map1 = affine_map<(d0, d1) -> (0, 0, 0)>
module attributes {stable_mosaic.version = 14 : i64} {
  func.func @_gather_body(%arg0: i32, %arg1: i32, %arg2: memref<524288x32xf32, #tpu.memory_space<hbm>>, %arg3: memref<8x32768xi32, #tpu.memory_space<hbm>>, %arg4: memref<4x32768x32xf32, #tpu.memory_space<hbm>>, %arg5: memref<4096xi32, #tpu.memory_space<vmem>>, %arg6: memref<128x32xf32, #tpu.memory_space<vmem>>, %arg7: memref<!tpu.dma_semaphore, #tpu.memory_space<semaphore_mem>>) attributes {dimension_semantics = [#tpu.dimension_semantics<core_parallel>, #tpu.dimension_semantics<subcore_parallel>], iteration_bounds = array<i64: 2, 16>, scalar_prefetch = 0 : i64, scratch_operands = 3 : i64, tpu.core_type = #tpu.core_type<sc_vector_subcore>, window_params = [{transform_indices = #map}, {transform_indices = #map}, {transform_indices = #map1}]} {
    %mul3A = arith.constant 2 : i32
    %mul3A_0 = arith.muli %arg1, %mul3A : i32
    %add3A = arith.addi %mul3A_0, %arg0 : i32
    %mul3A_1 = arith.constant 1024 : i32
    %mul3A_2 = arith.muli %add3A, %mul3A_1 : i32
    %run_scoped3A = arith.constant 0 : i32
    "tpu.region"() ({
      %run_scoped3A_49 = tpu.sem_alloc : memref<!tpu.dma_semaphore, #tpu.memory_space<semaphore_mem>>
      %dma_start3A = arith.constant 0 : i32
      %dma_start3A_50 = tpu.memref_slice %arg5[%dma_start3A] : memref<4096xi32, #tpu.memory_space<vmem>> -> memref<1024xi32, #tpu.memory_space<vmem>>
      %dma_start3A_51 = tpu.memref_slice %arg3[%run_scoped3A, %mul3A_2] : memref<8x32768xi32, #tpu.memory_space<hbm>> -> memref<1x1024xi32, #tpu.memory_space<hbm>>
      %dma_start3A_52 = tpu.memref_squeeze %dma_start3A_51 : memref<1x1024xi32, #tpu.memory_space<hbm>> -> memref<1024xi32, #tpu.memory_space<hbm>>
      %dma_start3A_53 = arith.constant 0 : i32
      %dma_start3A_54 = tpu.memref_slice %arg5[%dma_start3A_53] : memref<4096xi32, #tpu.memory_space<vmem>> -> memref<1024xi32, #tpu.memory_space<vmem>>
      %dma_start3A_55 = tpu.memref_slice %arg3[%run_scoped3A, %mul3A_2] : memref<8x32768xi32, #tpu.memory_space<hbm>> -> memref<1x1024xi32, #tpu.memory_space<hbm>>
      %dma_start3A_56 = tpu.memref_squeeze %dma_start3A_55 : memref<1x1024xi32, #tpu.memory_space<hbm>> -> memref<1024xi32, #tpu.memory_space<hbm>>
      tpu.enqueue_dma source(%dma_start3A_56 : memref<1024xi32, #tpu.memory_space<hbm>>) target(%dma_start3A_54 : memref<1024xi32, #tpu.memory_space<vmem>>) target_semaphore(%run_scoped3A_49 : memref<!tpu.dma_semaphore, #tpu.memory_space<semaphore_mem>>)
      %dma_wait3A = arith.constant 0 : i32
      %dma_wait3A_57 = tpu.memref_slice %arg5[%dma_wait3A] : memref<4096xi32, #tpu.memory_space<vmem>> -> memref<1024xi32, #tpu.memory_space<vmem>>
      %dma_wait3A_58 = tpu.memref_slice %arg3[%run_scoped3A, %mul3A_2] : memref<8x32768xi32, #tpu.memory_space<hbm>> -> memref<1x1024xi32, #tpu.memory_space<hbm>>
      %dma_wait3A_59 = tpu.memref_squeeze %dma_wait3A_58 : memref<1x1024xi32, #tpu.memory_space<hbm>> -> memref<1024xi32, #tpu.memory_space<hbm>>
      %dma_wait3A_60 = arith.constant 0 : i32
      %dma_wait3A_61 = tpu.memref_slice %arg5[%dma_wait3A_60] : memref<4096xi32, #tpu.memory_space<vmem>> -> memref<1024xi32, #tpu.memory_space<vmem>>
      %dma_wait3A_62 = tpu.memref_slice %arg3[%run_scoped3A, %mul3A_2] : memref<8x32768xi32, #tpu.memory_space<hbm>> -> memref<1x1024xi32, #tpu.memory_space<hbm>>
      %dma_wait3A_63 = tpu.memref_squeeze %dma_wait3A_62 : memref<1x1024xi32, #tpu.memory_space<hbm>> -> memref<1024xi32, #tpu.memory_space<hbm>>
      tpu.wait_dma2 semaphore(%run_scoped3A_49 : memref<!tpu.dma_semaphore, #tpu.memory_space<semaphore_mem>>) src(%dma_wait3A_63 : memref<1024xi32, #tpu.memory_space<hbm>>) dst(%dma_wait3A_61 : memref<1024xi32, #tpu.memory_space<vmem>>)
      tpu.yield
    }) : () -> ()
    %run_scoped3A_3 = arith.constant 1 : i32
    "tpu.region"() ({
      %run_scoped3A_49 = tpu.sem_alloc : memref<!tpu.dma_semaphore, #tpu.memory_space<semaphore_mem>>
      %dma_start3A = arith.constant 1024 : i32
      %dma_start3A_50 = tpu.memref_slice %arg5[%dma_start3A] : memref<4096xi32, #tpu.memory_space<vmem>> -> memref<1024xi32, #tpu.memory_space<vmem>>
      %dma_start3A_51 = tpu.memref_slice %arg3[%run_scoped3A_3, %mul3A_2] : memref<8x32768xi32, #tpu.memory_space<hbm>> -> memref<1x1024xi32, #tpu.memory_space<hbm>>
      %dma_start3A_52 = tpu.memref_squeeze %dma_start3A_51 : memref<1x1024xi32, #tpu.memory_space<hbm>> -> memref<1024xi32, #tpu.memory_space<hbm>>
      %dma_start3A_53 = arith.constant 1024 : i32
      %dma_start3A_54 = tpu.memref_slice %arg5[%dma_start3A_53] : memref<4096xi32, #tpu.memory_space<vmem>> -> memref<1024xi32, #tpu.memory_space<vmem>>
      %dma_start3A_55 = tpu.memref_slice %arg3[%run_scoped3A_3, %mul3A_2] : memref<8x32768xi32, #tpu.memory_space<hbm>> -> memref<1x1024xi32, #tpu.memory_space<hbm>>
      %dma_start3A_56 = tpu.memref_squeeze %dma_start3A_55 : memref<1x1024xi32, #tpu.memory_space<hbm>> -> memref<1024xi32, #tpu.memory_space<hbm>>
      tpu.enqueue_dma source(%dma_start3A_56 : memref<1024xi32, #tpu.memory_space<hbm>>) target(%dma_start3A_54 : memref<1024xi32, #tpu.memory_space<vmem>>) target_semaphore(%run_scoped3A_49 : memref<!tpu.dma_semaphore, #tpu.memory_space<semaphore_mem>>)
      %dma_wait3A = arith.constant 1024 : i32
      %dma_wait3A_57 = tpu.memref_slice %arg5[%dma_wait3A] : memref<4096xi32, #tpu.memory_space<vmem>> -> memref<1024xi32, #tpu.memory_space<vmem>>
      %dma_wait3A_58 = tpu.memref_slice %arg3[%run_scoped3A_3, %mul3A_2] : memref<8x32768xi32, #tpu.memory_space<hbm>> -> memref<1x1024xi32, #tpu.memory_space<hbm>>
      %dma_wait3A_59 = tpu.memref_squeeze %dma_wait3A_58 : memref<1x1024xi32, #tpu.memory_space<hbm>> -> memref<1024xi32, #tpu.memory_space<hbm>>
      %dma_wait3A_60 = arith.constant 1024 : i32
      %dma_wait3A_61 = tpu.memref_slice %arg5[%dma_wait3A_60] : memref<4096xi32, #tpu.memory_space<vmem>> -> memref<1024xi32, #tpu.memory_space<vmem>>
      %dma_wait3A_62 = tpu.memref_slice %arg3[%run_scoped3A_3, %mul3A_2] : memref<8x32768xi32, #tpu.memory_space<hbm>> -> memref<1x1024xi32, #tpu.memory_space<hbm>>
      %dma_wait3A_63 = tpu.memref_squeeze %dma_wait3A_62 : memref<1x1024xi32, #tpu.memory_space<hbm>> -> memref<1024xi32, #tpu.memory_space<hbm>>
      tpu.wait_dma2 semaphore(%run_scoped3A_49 : memref<!tpu.dma_semaphore, #tpu.memory_space<semaphore_mem>>) src(%dma_wait3A_63 : memref<1024xi32, #tpu.memory_space<hbm>>) dst(%dma_wait3A_61 : memref<1024xi32, #tpu.memory_space<vmem>>)
      tpu.yield
    }) : () -> ()
    %run_scoped3A_4 = arith.constant 2 : i32
    "tpu.region"() ({
      %run_scoped3A_49 = tpu.sem_alloc : memref<!tpu.dma_semaphore, #tpu.memory_space<semaphore_mem>>
      %dma_start3A = arith.constant 2048 : i32
      %dma_start3A_50 = tpu.memref_slice %arg5[%dma_start3A] : memref<4096xi32, #tpu.memory_space<vmem>> -> memref<1024xi32, #tpu.memory_space<vmem>>
      %dma_start3A_51 = tpu.memref_slice %arg3[%run_scoped3A_4, %mul3A_2] : memref<8x32768xi32, #tpu.memory_space<hbm>> -> memref<1x1024xi32, #tpu.memory_space<hbm>>
      %dma_start3A_52 = tpu.memref_squeeze %dma_start3A_51 : memref<1x1024xi32, #tpu.memory_space<hbm>> -> memref<1024xi32, #tpu.memory_space<hbm>>
      %dma_start3A_53 = arith.constant 2048 : i32
      %dma_start3A_54 = tpu.memref_slice %arg5[%dma_start3A_53] : memref<4096xi32, #tpu.memory_space<vmem>> -> memref<1024xi32, #tpu.memory_space<vmem>>
      %dma_start3A_55 = tpu.memref_slice %arg3[%run_scoped3A_4, %mul3A_2] : memref<8x32768xi32, #tpu.memory_space<hbm>> -> memref<1x1024xi32, #tpu.memory_space<hbm>>
      %dma_start3A_56 = tpu.memref_squeeze %dma_start3A_55 : memref<1x1024xi32, #tpu.memory_space<hbm>> -> memref<1024xi32, #tpu.memory_space<hbm>>
      tpu.enqueue_dma source(%dma_start3A_56 : memref<1024xi32, #tpu.memory_space<hbm>>) target(%dma_start3A_54 : memref<1024xi32, #tpu.memory_space<vmem>>) target_semaphore(%run_scoped3A_49 : memref<!tpu.dma_semaphore, #tpu.memory_space<semaphore_mem>>)
      %dma_wait3A = arith.constant 2048 : i32
      %dma_wait3A_57 = tpu.memref_slice %arg5[%dma_wait3A] : memref<4096xi32, #tpu.memory_space<vmem>> -> memref<1024xi32, #tpu.memory_space<vmem>>
      %dma_wait3A_58 = tpu.memref_slice %arg3[%run_scoped3A_4, %mul3A_2] : memref<8x32768xi32, #tpu.memory_space<hbm>> -> memref<1x1024xi32, #tpu.memory_space<hbm>>
      %dma_wait3A_59 = tpu.memref_squeeze %dma_wait3A_58 : memref<1x1024xi32, #tpu.memory_space<hbm>> -> memref<1024xi32, #tpu.memory_space<hbm>>
      %dma_wait3A_60 = arith.constant 2048 : i32
      %dma_wait3A_61 = tpu.memref_slice %arg5[%dma_wait3A_60] : memref<4096xi32, #tpu.memory_space<vmem>> -> memref<1024xi32, #tpu.memory_space<vmem>>
      %dma_wait3A_62 = tpu.memref_slice %arg3[%run_scoped3A_4, %mul3A_2] : memref<8x32768xi32, #tpu.memory_space<hbm>> -> memref<1x1024xi32, #tpu.memory_space<hbm>>
      %dma_wait3A_63 = tpu.memref_squeeze %dma_wait3A_62 : memref<1x1024xi32, #tpu.memory_space<hbm>> -> memref<1024xi32, #tpu.memory_space<hbm>>
      tpu.wait_dma2 semaphore(%run_scoped3A_49 : memref<!tpu.dma_semaphore, #tpu.memory_space<semaphore_mem>>) src(%dma_wait3A_63 : memref<1024xi32, #tpu.memory_space<hbm>>) dst(%dma_wait3A_61 : memref<1024xi32, #tpu.memory_space<vmem>>)
      tpu.yield
    }) : () -> ()
    %run_scoped3A_5 = arith.constant 3 : i32
    "tpu.region"() ({
      %run_scoped3A_49 = tpu.sem_alloc : memref<!tpu.dma_semaphore, #tpu.memory_space<semaphore_mem>>
      %dma_start3A = arith.constant 3072 : i32
      %dma_start3A_50 = tpu.memref_slice %arg5[%dma_start3A] : memref<4096xi32, #tpu.memory_space<vmem>> -> memref<1024xi32, #tpu.memory_space<vmem>>
      %dma_start3A_51 = tpu.memref_slice %arg3[%run_scoped3A_5, %mul3A_2] : memref<8x32768xi32, #tpu.memory_space<hbm>> -> memref<1x1024xi32, #tpu.memory_space<hbm>>
      %dma_start3A_52 = tpu.memref_squeeze %dma_start3A_51 : memref<1x1024xi32, #tpu.memory_space<hbm>> -> memref<1024xi32, #tpu.memory_space<hbm>>
      %dma_start3A_53 = arith.constant 3072 : i32
      %dma_start3A_54 = tpu.memref_slice %arg5[%dma_start3A_53] : memref<4096xi32, #tpu.memory_space<vmem>> -> memref<1024xi32, #tpu.memory_space<vmem>>
      %dma_start3A_55 = tpu.memref_slice %arg3[%run_scoped3A_5, %mul3A_2] : memref<8x32768xi32, #tpu.memory_space<hbm>> -> memref<1x1024xi32, #tpu.memory_space<hbm>>
      %dma_start3A_56 = tpu.memref_squeeze %dma_start3A_55 : memref<1x1024xi32, #tpu.memory_space<hbm>> -> memref<1024xi32, #tpu.memory_space<hbm>>
      tpu.enqueue_dma source(%dma_start3A_56 : memref<1024xi32, #tpu.memory_space<hbm>>) target(%dma_start3A_54 : memref<1024xi32, #tpu.memory_space<vmem>>) target_semaphore(%run_scoped3A_49 : memref<!tpu.dma_semaphore, #tpu.memory_space<semaphore_mem>>)
      %dma_wait3A = arith.constant 3072 : i32
      %dma_wait3A_57 = tpu.memref_slice %arg5[%dma_wait3A] : memref<4096xi32, #tpu.memory_space<vmem>> -> memref<1024xi32, #tpu.memory_space<vmem>>
      %dma_wait3A_58 = tpu.memref_slice %arg3[%run_scoped3A_5, %mul3A_2] : memref<8x32768xi32, #tpu.memory_space<hbm>> -> memref<1x1024xi32, #tpu.memory_space<hbm>>
      %dma_wait3A_59 = tpu.memref_squeeze %dma_wait3A_58 : memref<1x1024xi32, #tpu.memory_space<hbm>> -> memref<1024xi32, #tpu.memory_space<hbm>>
      %dma_wait3A_60 = arith.constant 3072 : i32
      %dma_wait3A_61 = tpu.memref_slice %arg5[%dma_wait3A_60] : memref<4096xi32, #tpu.memory_space<vmem>> -> memref<1024xi32, #tpu.memory_space<vmem>>
      %dma_wait3A_62 = tpu.memref_slice %arg3[%run_scoped3A_5, %mul3A_2] : memref<8x32768xi32, #tpu.memory_space<hbm>> -> memref<1x1024xi32, #tpu.memory_space<hbm>>
      %dma_wait3A_63 = tpu.memref_squeeze %dma_wait3A_62 : memref<1x1024xi32, #tpu.memory_space<hbm>> -> memref<1024xi32, #tpu.memory_space<hbm>>
      tpu.wait_dma2 semaphore(%run_scoped3A_49 : memref<!tpu.dma_semaphore, #tpu.memory_space<semaphore_mem>>) src(%dma_wait3A_63 : memref<1024xi32, #tpu.memory_space<hbm>>) dst(%dma_wait3A_61 : memref<1024xi32, #tpu.memory_space<vmem>>)
      tpu.yield
    }) : () -> ()
    %while3A = arith.constant 0 : i32
    %while3A_6 = arith.constant 0 : i32
    %while3A_7 = arith.constant 8 : i32
    %while3A_8 = arith.subi %while3A_7, %while3A_6 : i32
    %while3A_9 = arith.addi %while3A_6, %while3A_8 : i32
    %while3A_10 = arith.constant 1 : i32
    %while3A_11 = arith.divsi %while3A_8, %while3A_10 : i32
    %while3A_12 = arith.muli %while3A_11, %while3A_10 : i32
    %while3A_13 = arith.addi %while3A_6, %while3A_12 : i32
    %while3A_14 = arith.constant 1 : i32
    scf.for %while3A_49 = %while3A_6 to %while3A_13 step %while3A_14  : i32 {
      %mul3A_50 = arith.constant 128 : i32
      %mul3A_51 = arith.muli %while3A_49, %mul3A_50 : i32
      %add3A_52 = arith.constant 0 : i32
      %add3A_53 = arith.addi %add3A_52, %mul3A_51 : i32
      %dma_start3A = tpu.memref_slice %arg5[%add3A_53] : memref<4096xi32, #tpu.memory_space<vmem>> -> memref<128xi32, #tpu.memory_space<vmem>>
      %dma_start3A_54 = arith.constant 0 : i32
      %dma_start3A_55 = arith.constant 0 : i32
      %dma_start3A_56 = tpu.memref_slice %arg2[%dma_start3A_54, %dma_start3A_55] : memref<524288x32xf32, #tpu.memory_space<hbm>> -> memref<524288x32xf32, #tpu.memory_space<hbm>>
      tpu.enqueue_indirect_dma source(%dma_start3A_56 : memref<524288x32xf32, #tpu.memory_space<hbm>>) target(%arg6 : memref<128x32xf32, #tpu.memory_space<vmem>>) offsets(%dma_start3A : memref<128xi32, #tpu.memory_space<vmem>>) semaphore(%arg7 : memref<!tpu.dma_semaphore, #tpu.memory_space<semaphore_mem>>)
      %dma_wait3A = tpu.memref_slice %arg5[%add3A_53] : memref<4096xi32, #tpu.memory_space<vmem>> -> memref<128xi32, #tpu.memory_space<vmem>>
      %dma_wait3A_57 = arith.constant 0 : i32
      %dma_wait3A_58 = arith.constant 0 : i32
      %dma_wait3A_59 = tpu.memref_slice %arg2[%dma_wait3A_57, %dma_wait3A_58] : memref<524288x32xf32, #tpu.memory_space<hbm>> -> memref<524288x32xf32, #tpu.memory_space<hbm>>
      tpu.wait_indirect_dma semaphore(%arg7 : memref<!tpu.dma_semaphore, #tpu.memory_space<semaphore_mem>>) src(%dma_wait3A_59 : memref<524288x32xf32, #tpu.memory_space<hbm>>) dst(%arg6 : memref<128x32xf32, #tpu.memory_space<vmem>>)
      %mul3A_60 = arith.constant 128 : i32
      %mul3A_61 = arith.muli %while3A_49, %mul3A_60 : i32
      %add3A_62 = arith.addi %mul3A_2, %mul3A_61 : i32
      %run_scoped3A_63 = arith.constant 0 : i32
      "tpu.region"() ({
        %run_scoped3A_64 = tpu.sem_alloc : memref<!tpu.dma_semaphore, #tpu.memory_space<semaphore_mem>>
        %dma_start3A_65 = arith.constant 0 : i32
        %dma_start3A_66 = tpu.memref_slice %arg4[%run_scoped3A_63, %add3A_62, %dma_start3A_65] : memref<4x32768x32xf32, #tpu.memory_space<hbm>> -> memref<1x128x32xf32, #tpu.memory_space<hbm>>
        %dma_start3A_67 = tpu.memref_squeeze %dma_start3A_66 : memref<1x128x32xf32, #tpu.memory_space<hbm>> -> memref<128x32xf32, #tpu.memory_space<hbm>>
        %dma_start3A_68 = arith.constant 0 : i32
        %dma_start3A_69 = tpu.memref_slice %arg4[%run_scoped3A_63, %add3A_62, %dma_start3A_68] : memref<4x32768x32xf32, #tpu.memory_space<hbm>> -> memref<1x128x32xf32, #tpu.memory_space<hbm>>
        %dma_start3A_70 = tpu.memref_squeeze %dma_start3A_69 : memref<1x128x32xf32, #tpu.memory_space<hbm>> -> memref<128x32xf32, #tpu.memory_space<hbm>>
        tpu.enqueue_dma source(%arg6 : memref<128x32xf32, #tpu.memory_space<vmem>>) target(%dma_start3A_70 : memref<128x32xf32, #tpu.memory_space<hbm>>) target_semaphore(%run_scoped3A_64 : memref<!tpu.dma_semaphore, #tpu.memory_space<semaphore_mem>>)
        %dma_wait3A_71 = arith.constant 0 : i32
        %dma_wait3A_72 = tpu.memref_slice %arg4[%run_scoped3A_63, %add3A_62, %dma_wait3A_71] : memref<4x32768x32xf32, #tpu.memory_space<hbm>> -> memref<1x128x32xf32, #tpu.memory_space<hbm>>
        %dma_wait3A_73 = tpu.memref_squeeze %dma_wait3A_72 : memref<1x128x32xf32, #tpu.memory_space<hbm>> -> memref<128x32xf32, #tpu.memory_space<hbm>>
        %dma_wait3A_74 = arith.constant 0 : i32
        %dma_wait3A_75 = tpu.memref_slice %arg4[%run_scoped3A_63, %add3A_62, %dma_wait3A_74] : memref<4x32768x32xf32, #tpu.memory_space<hbm>> -> memref<1x128x32xf32, #tpu.memory_space<hbm>>
        %dma_wait3A_76 = tpu.memref_squeeze %dma_wait3A_75 : memref<1x128x32xf32, #tpu.memory_space<hbm>> -> memref<128x32xf32, #tpu.memory_space<hbm>>
        tpu.wait_dma2 semaphore(%run_scoped3A_64 : memref<!tpu.dma_semaphore, #tpu.memory_space<semaphore_mem>>) src(%arg6 : memref<128x32xf32, #tpu.memory_space<vmem>>) dst(%dma_wait3A_76 : memref<128x32xf32, #tpu.memory_space<hbm>>)
        tpu.yield
      }) : () -> ()
    }
    %while3A_15 = arith.constant 1 : i32
    scf.for %while3A_49 = %while3A_13 to %while3A_9 step %while3A_15  : i32 {
      %mul3A_50 = arith.constant 128 : i32
      %mul3A_51 = arith.muli %while3A_49, %mul3A_50 : i32
      %add3A_52 = arith.constant 0 : i32
      %add3A_53 = arith.addi %add3A_52, %mul3A_51 : i32
      %dma_start3A = tpu.memref_slice %arg5[%add3A_53] : memref<4096xi32, #tpu.memory_space<vmem>> -> memref<128xi32, #tpu.memory_space<vmem>>
      %dma_start3A_54 = arith.constant 0 : i32
      %dma_start3A_55 = arith.constant 0 : i32
      %dma_start3A_56 = tpu.memref_slice %arg2[%dma_start3A_54, %dma_start3A_55] : memref<524288x32xf32, #tpu.memory_space<hbm>> -> memref<524288x32xf32, #tpu.memory_space<hbm>>
      tpu.enqueue_indirect_dma source(%dma_start3A_56 : memref<524288x32xf32, #tpu.memory_space<hbm>>) target(%arg6 : memref<128x32xf32, #tpu.memory_space<vmem>>) offsets(%dma_start3A : memref<128xi32, #tpu.memory_space<vmem>>) semaphore(%arg7 : memref<!tpu.dma_semaphore, #tpu.memory_space<semaphore_mem>>)
      %dma_wait3A = tpu.memref_slice %arg5[%add3A_53] : memref<4096xi32, #tpu.memory_space<vmem>> -> memref<128xi32, #tpu.memory_space<vmem>>
      %dma_wait3A_57 = arith.constant 0 : i32
      %dma_wait3A_58 = arith.constant 0 : i32
      %dma_wait3A_59 = tpu.memref_slice %arg2[%dma_wait3A_57, %dma_wait3A_58] : memref<524288x32xf32, #tpu.memory_space<hbm>> -> memref<524288x32xf32, #tpu.memory_space<hbm>>
      tpu.wait_indirect_dma semaphore(%arg7 : memref<!tpu.dma_semaphore, #tpu.memory_space<semaphore_mem>>) src(%dma_wait3A_59 : memref<524288x32xf32, #tpu.memory_space<hbm>>) dst(%arg6 : memref<128x32xf32, #tpu.memory_space<vmem>>)
      %mul3A_60 = arith.constant 128 : i32
      %mul3A_61 = arith.muli %while3A_49, %mul3A_60 : i32
      %add3A_62 = arith.addi %mul3A_2, %mul3A_61 : i32
      %run_scoped3A_63 = arith.constant 0 : i32
      "tpu.region"() ({
        %run_scoped3A_64 = tpu.sem_alloc : memref<!tpu.dma_semaphore, #tpu.memory_space<semaphore_mem>>
        %dma_start3A_65 = arith.constant 0 : i32
        %dma_start3A_66 = tpu.memref_slice %arg4[%run_scoped3A_63, %add3A_62, %dma_start3A_65] : memref<4x32768x32xf32, #tpu.memory_space<hbm>> -> memref<1x128x32xf32, #tpu.memory_space<hbm>>
        %dma_start3A_67 = tpu.memref_squeeze %dma_start3A_66 : memref<1x128x32xf32, #tpu.memory_space<hbm>> -> memref<128x32xf32, #tpu.memory_space<hbm>>
        %dma_start3A_68 = arith.constant 0 : i32
        %dma_start3A_69 = tpu.memref_slice %arg4[%run_scoped3A_63, %add3A_62, %dma_start3A_68] : memref<4x32768x32xf32, #tpu.memory_space<hbm>> -> memref<1x128x32xf32, #tpu.memory_space<hbm>>
        %dma_start3A_70 = tpu.memref_squeeze %dma_start3A_69 : memref<1x128x32xf32, #tpu.memory_space<hbm>> -> memref<128x32xf32, #tpu.memory_space<hbm>>
        tpu.enqueue_dma source(%arg6 : memref<128x32xf32, #tpu.memory_space<vmem>>) target(%dma_start3A_70 : memref<128x32xf32, #tpu.memory_space<hbm>>) target_semaphore(%run_scoped3A_64 : memref<!tpu.dma_semaphore, #tpu.memory_space<semaphore_mem>>)
        %dma_wait3A_71 = arith.constant 0 : i32
        %dma_wait3A_72 = tpu.memref_slice %arg4[%run_scoped3A_63, %add3A_62, %dma_wait3A_71] : memref<4x32768x32xf32, #tpu.memory_space<hbm>> -> memref<1x128x32xf32, #tpu.memory_space<hbm>>
        %dma_wait3A_73 = tpu.memref_squeeze %dma_wait3A_72 : memref<1x128x32xf32, #tpu.memory_space<hbm>> -> memref<128x32xf32, #tpu.memory_space<hbm>>
        %dma_wait3A_74 = arith.constant 0 : i32
        %dma_wait3A_75 = tpu.memref_slice %arg4[%run_scoped3A_63, %add3A_62, %dma_wait3A_74] : memref<4x32768x32xf32, #tpu.memory_space<hbm>> -> memref<1x128x32xf32, #tpu.memory_space<hbm>>
        %dma_wait3A_76 = tpu.memref_squeeze %dma_wait3A_75 : memref<1x128x32xf32, #tpu.memory_space<hbm>> -> memref<128x32xf32, #tpu.memory_space<hbm>>
        tpu.wait_dma2 semaphore(%run_scoped3A_64 : memref<!tpu.dma_semaphore, #tpu.memory_space<semaphore_mem>>) src(%arg6 : memref<128x32xf32, #tpu.memory_space<vmem>>) dst(%dma_wait3A_76 : memref<128x32xf32, #tpu.memory_space<hbm>>)
        tpu.yield
      }) : () -> ()
    }
    %while3A_16 = arith.constant 0 : i32
    %while3A_17 = arith.constant 0 : i32
    %while3A_18 = arith.constant 8 : i32
    %while3A_19 = arith.subi %while3A_18, %while3A_17 : i32
    %while3A_20 = arith.addi %while3A_17, %while3A_19 : i32
    %while3A_21 = arith.constant 1 : i32
    %while3A_22 = arith.divsi %while3A_19, %while3A_21 : i32
    %while3A_23 = arith.muli %while3A_22, %while3A_21 : i32
    %while3A_24 = arith.addi %while3A_17, %while3A_23 : i32
    %while3A_25 = arith.constant 1 : i32
    scf.for %while3A_49 = %while3A_17 to %while3A_24 step %while3A_25  : i32 {
      %mul3A_50 = arith.constant 128 : i32
      %mul3A_51 = arith.muli %while3A_49, %mul3A_50 : i32
      %add3A_52 = arith.constant 1024 : i32
      %add3A_53 = arith.addi %add3A_52, %mul3A_51 : i32
      %dma_start3A = tpu.memref_slice %arg5[%add3A_53] : memref<4096xi32, #tpu.memory_space<vmem>> -> memref<128xi32, #tpu.memory_space<vmem>>
      %dma_start3A_54 = arith.constant 0 : i32
      %dma_start3A_55 = arith.constant 0 : i32
      %dma_start3A_56 = tpu.memref_slice %arg2[%dma_start3A_54, %dma_start3A_55] : memref<524288x32xf32, #tpu.memory_space<hbm>> -> memref<524288x32xf32, #tpu.memory_space<hbm>>
      tpu.enqueue_indirect_dma source(%dma_start3A_56 : memref<524288x32xf32, #tpu.memory_space<hbm>>) target(%arg6 : memref<128x32xf32, #tpu.memory_space<vmem>>) offsets(%dma_start3A : memref<128xi32, #tpu.memory_space<vmem>>) semaphore(%arg7 : memref<!tpu.dma_semaphore, #tpu.memory_space<semaphore_mem>>)
      %dma_wait3A = tpu.memref_slice %arg5[%add3A_53] : memref<4096xi32, #tpu.memory_space<vmem>> -> memref<128xi32, #tpu.memory_space<vmem>>
      %dma_wait3A_57 = arith.constant 0 : i32
      %dma_wait3A_58 = arith.constant 0 : i32
      %dma_wait3A_59 = tpu.memref_slice %arg2[%dma_wait3A_57, %dma_wait3A_58] : memref<524288x32xf32, #tpu.memory_space<hbm>> -> memref<524288x32xf32, #tpu.memory_space<hbm>>
      tpu.wait_indirect_dma semaphore(%arg7 : memref<!tpu.dma_semaphore, #tpu.memory_space<semaphore_mem>>) src(%dma_wait3A_59 : memref<524288x32xf32, #tpu.memory_space<hbm>>) dst(%arg6 : memref<128x32xf32, #tpu.memory_space<vmem>>)
      %mul3A_60 = arith.constant 128 : i32
      %mul3A_61 = arith.muli %while3A_49, %mul3A_60 : i32
      %add3A_62 = arith.addi %mul3A_2, %mul3A_61 : i32
      %run_scoped3A_63 = arith.constant 1 : i32
      "tpu.region"() ({
        %run_scoped3A_64 = tpu.sem_alloc : memref<!tpu.dma_semaphore, #tpu.memory_space<semaphore_mem>>
        %dma_start3A_65 = arith.constant 0 : i32
        %dma_start3A_66 = tpu.memref_slice %arg4[%run_scoped3A_63, %add3A_62, %dma_start3A_65] : memref<4x32768x32xf32, #tpu.memory_space<hbm>> -> memref<1x128x32xf32, #tpu.memory_space<hbm>>
        %dma_start3A_67 = tpu.memref_squeeze %dma_start3A_66 : memref<1x128x32xf32, #tpu.memory_space<hbm>> -> memref<128x32xf32, #tpu.memory_space<hbm>>
        %dma_start3A_68 = arith.constant 0 : i32
        %dma_start3A_69 = tpu.memref_slice %arg4[%run_scoped3A_63, %add3A_62, %dma_start3A_68] : memref<4x32768x32xf32, #tpu.memory_space<hbm>> -> memref<1x128x32xf32, #tpu.memory_space<hbm>>
        %dma_start3A_70 = tpu.memref_squeeze %dma_start3A_69 : memref<1x128x32xf32, #tpu.memory_space<hbm>> -> memref<128x32xf32, #tpu.memory_space<hbm>>
        tpu.enqueue_dma source(%arg6 : memref<128x32xf32, #tpu.memory_space<vmem>>) target(%dma_start3A_70 : memref<128x32xf32, #tpu.memory_space<hbm>>) target_semaphore(%run_scoped3A_64 : memref<!tpu.dma_semaphore, #tpu.memory_space<semaphore_mem>>)
        %dma_wait3A_71 = arith.constant 0 : i32
        %dma_wait3A_72 = tpu.memref_slice %arg4[%run_scoped3A_63, %add3A_62, %dma_wait3A_71] : memref<4x32768x32xf32, #tpu.memory_space<hbm>> -> memref<1x128x32xf32, #tpu.memory_space<hbm>>
        %dma_wait3A_73 = tpu.memref_squeeze %dma_wait3A_72 : memref<1x128x32xf32, #tpu.memory_space<hbm>> -> memref<128x32xf32, #tpu.memory_space<hbm>>
        %dma_wait3A_74 = arith.constant 0 : i32
        %dma_wait3A_75 = tpu.memref_slice %arg4[%run_scoped3A_63, %add3A_62, %dma_wait3A_74] : memref<4x32768x32xf32, #tpu.memory_space<hbm>> -> memref<1x128x32xf32, #tpu.memory_space<hbm>>
        %dma_wait3A_76 = tpu.memref_squeeze %dma_wait3A_75 : memref<1x128x32xf32, #tpu.memory_space<hbm>> -> memref<128x32xf32, #tpu.memory_space<hbm>>
        tpu.wait_dma2 semaphore(%run_scoped3A_64 : memref<!tpu.dma_semaphore, #tpu.memory_space<semaphore_mem>>) src(%arg6 : memref<128x32xf32, #tpu.memory_space<vmem>>) dst(%dma_wait3A_76 : memref<128x32xf32, #tpu.memory_space<hbm>>)
        tpu.yield
      }) : () -> ()
    }
    %while3A_26 = arith.constant 1 : i32
    scf.for %while3A_49 = %while3A_24 to %while3A_20 step %while3A_26  : i32 {
      %mul3A_50 = arith.constant 128 : i32
      %mul3A_51 = arith.muli %while3A_49, %mul3A_50 : i32
      %add3A_52 = arith.constant 1024 : i32
      %add3A_53 = arith.addi %add3A_52, %mul3A_51 : i32
      %dma_start3A = tpu.memref_slice %arg5[%add3A_53] : memref<4096xi32, #tpu.memory_space<vmem>> -> memref<128xi32, #tpu.memory_space<vmem>>
      %dma_start3A_54 = arith.constant 0 : i32
      %dma_start3A_55 = arith.constant 0 : i32
      %dma_start3A_56 = tpu.memref_slice %arg2[%dma_start3A_54, %dma_start3A_55] : memref<524288x32xf32, #tpu.memory_space<hbm>> -> memref<524288x32xf32, #tpu.memory_space<hbm>>
      tpu.enqueue_indirect_dma source(%dma_start3A_56 : memref<524288x32xf32, #tpu.memory_space<hbm>>) target(%arg6 : memref<128x32xf32, #tpu.memory_space<vmem>>) offsets(%dma_start3A : memref<128xi32, #tpu.memory_space<vmem>>) semaphore(%arg7 : memref<!tpu.dma_semaphore, #tpu.memory_space<semaphore_mem>>)
      %dma_wait3A = tpu.memref_slice %arg5[%add3A_53] : memref<4096xi32, #tpu.memory_space<vmem>> -> memref<128xi32, #tpu.memory_space<vmem>>
      %dma_wait3A_57 = arith.constant 0 : i32
      %dma_wait3A_58 = arith.constant 0 : i32
      %dma_wait3A_59 = tpu.memref_slice %arg2[%dma_wait3A_57, %dma_wait3A_58] : memref<524288x32xf32, #tpu.memory_space<hbm>> -> memref<524288x32xf32, #tpu.memory_space<hbm>>
      tpu.wait_indirect_dma semaphore(%arg7 : memref<!tpu.dma_semaphore, #tpu.memory_space<semaphore_mem>>) src(%dma_wait3A_59 : memref<524288x32xf32, #tpu.memory_space<hbm>>) dst(%arg6 : memref<128x32xf32, #tpu.memory_space<vmem>>)
      %mul3A_60 = arith.constant 128 : i32
      %mul3A_61 = arith.muli %while3A_49, %mul3A_60 : i32
      %add3A_62 = arith.addi %mul3A_2, %mul3A_61 : i32
      %run_scoped3A_63 = arith.constant 1 : i32
      "tpu.region"() ({
        %run_scoped3A_64 = tpu.sem_alloc : memref<!tpu.dma_semaphore, #tpu.memory_space<semaphore_mem>>
        %dma_start3A_65 = arith.constant 0 : i32
        %dma_start3A_66 = tpu.memref_slice %arg4[%run_scoped3A_63, %add3A_62, %dma_start3A_65] : memref<4x32768x32xf32, #tpu.memory_space<hbm>> -> memref<1x128x32xf32, #tpu.memory_space<hbm>>
        %dma_start3A_67 = tpu.memref_squeeze %dma_start3A_66 : memref<1x128x32xf32, #tpu.memory_space<hbm>> -> memref<128x32xf32, #tpu.memory_space<hbm>>
        %dma_start3A_68 = arith.constant 0 : i32
        %dma_start3A_69 = tpu.memref_slice %arg4[%run_scoped3A_63, %add3A_62, %dma_start3A_68] : memref<4x32768x32xf32, #tpu.memory_space<hbm>> -> memref<1x128x32xf32, #tpu.memory_space<hbm>>
        %dma_start3A_70 = tpu.memref_squeeze %dma_start3A_69 : memref<1x128x32xf32, #tpu.memory_space<hbm>> -> memref<128x32xf32, #tpu.memory_space<hbm>>
        tpu.enqueue_dma source(%arg6 : memref<128x32xf32, #tpu.memory_space<vmem>>) target(%dma_start3A_70 : memref<128x32xf32, #tpu.memory_space<hbm>>) target_semaphore(%run_scoped3A_64 : memref<!tpu.dma_semaphore, #tpu.memory_space<semaphore_mem>>)
        %dma_wait3A_71 = arith.constant 0 : i32
        %dma_wait3A_72 = tpu.memref_slice %arg4[%run_scoped3A_63, %add3A_62, %dma_wait3A_71] : memref<4x32768x32xf32, #tpu.memory_space<hbm>> -> memref<1x128x32xf32, #tpu.memory_space<hbm>>
        %dma_wait3A_73 = tpu.memref_squeeze %dma_wait3A_72 : memref<1x128x32xf32, #tpu.memory_space<hbm>> -> memref<128x32xf32, #tpu.memory_space<hbm>>
        %dma_wait3A_74 = arith.constant 0 : i32
        %dma_wait3A_75 = tpu.memref_slice %arg4[%run_scoped3A_63, %add3A_62, %dma_wait3A_74] : memref<4x32768x32xf32, #tpu.memory_space<hbm>> -> memref<1x128x32xf32, #tpu.memory_space<hbm>>
        %dma_wait3A_76 = tpu.memref_squeeze %dma_wait3A_75 : memref<1x128x32xf32, #tpu.memory_space<hbm>> -> memref<128x32xf32, #tpu.memory_space<hbm>>
        tpu.wait_dma2 semaphore(%run_scoped3A_64 : memref<!tpu.dma_semaphore, #tpu.memory_space<semaphore_mem>>) src(%arg6 : memref<128x32xf32, #tpu.memory_space<vmem>>) dst(%dma_wait3A_76 : memref<128x32xf32, #tpu.memory_space<hbm>>)
        tpu.yield
      }) : () -> ()
    }
    %while3A_27 = arith.constant 0 : i32
    %while3A_28 = arith.constant 0 : i32
    %while3A_29 = arith.constant 8 : i32
    %while3A_30 = arith.subi %while3A_29, %while3A_28 : i32
    %while3A_31 = arith.addi %while3A_28, %while3A_30 : i32
    %while3A_32 = arith.constant 1 : i32
    %while3A_33 = arith.divsi %while3A_30, %while3A_32 : i32
    %while3A_34 = arith.muli %while3A_33, %while3A_32 : i32
    %while3A_35 = arith.addi %while3A_28, %while3A_34 : i32
    %while3A_36 = arith.constant 1 : i32
    scf.for %while3A_49 = %while3A_28 to %while3A_35 step %while3A_36  : i32 {
      %mul3A_50 = arith.constant 128 : i32
      %mul3A_51 = arith.muli %while3A_49, %mul3A_50 : i32
      %add3A_52 = arith.constant 2048 : i32
      %add3A_53 = arith.addi %add3A_52, %mul3A_51 : i32
      %dma_start3A = tpu.memref_slice %arg5[%add3A_53] : memref<4096xi32, #tpu.memory_space<vmem>> -> memref<128xi32, #tpu.memory_space<vmem>>
      %dma_start3A_54 = arith.constant 0 : i32
      %dma_start3A_55 = arith.constant 0 : i32
      %dma_start3A_56 = tpu.memref_slice %arg2[%dma_start3A_54, %dma_start3A_55] : memref<524288x32xf32, #tpu.memory_space<hbm>> -> memref<524288x32xf32, #tpu.memory_space<hbm>>
      tpu.enqueue_indirect_dma source(%dma_start3A_56 : memref<524288x32xf32, #tpu.memory_space<hbm>>) target(%arg6 : memref<128x32xf32, #tpu.memory_space<vmem>>) offsets(%dma_start3A : memref<128xi32, #tpu.memory_space<vmem>>) semaphore(%arg7 : memref<!tpu.dma_semaphore, #tpu.memory_space<semaphore_mem>>)
      %dma_wait3A = tpu.memref_slice %arg5[%add3A_53] : memref<4096xi32, #tpu.memory_space<vmem>> -> memref<128xi32, #tpu.memory_space<vmem>>
      %dma_wait3A_57 = arith.constant 0 : i32
      %dma_wait3A_58 = arith.constant 0 : i32
      %dma_wait3A_59 = tpu.memref_slice %arg2[%dma_wait3A_57, %dma_wait3A_58] : memref<524288x32xf32, #tpu.memory_space<hbm>> -> memref<524288x32xf32, #tpu.memory_space<hbm>>
      tpu.wait_indirect_dma semaphore(%arg7 : memref<!tpu.dma_semaphore, #tpu.memory_space<semaphore_mem>>) src(%dma_wait3A_59 : memref<524288x32xf32, #tpu.memory_space<hbm>>) dst(%arg6 : memref<128x32xf32, #tpu.memory_space<vmem>>)
      %mul3A_60 = arith.constant 128 : i32
      %mul3A_61 = arith.muli %while3A_49, %mul3A_60 : i32
      %add3A_62 = arith.addi %mul3A_2, %mul3A_61 : i32
      %run_scoped3A_63 = arith.constant 2 : i32
      "tpu.region"() ({
        %run_scoped3A_64 = tpu.sem_alloc : memref<!tpu.dma_semaphore, #tpu.memory_space<semaphore_mem>>
        %dma_start3A_65 = arith.constant 0 : i32
        %dma_start3A_66 = tpu.memref_slice %arg4[%run_scoped3A_63, %add3A_62, %dma_start3A_65] : memref<4x32768x32xf32, #tpu.memory_space<hbm>> -> memref<1x128x32xf32, #tpu.memory_space<hbm>>
        %dma_start3A_67 = tpu.memref_squeeze %dma_start3A_66 : memref<1x128x32xf32, #tpu.memory_space<hbm>> -> memref<128x32xf32, #tpu.memory_space<hbm>>
        %dma_start3A_68 = arith.constant 0 : i32
        %dma_start3A_69 = tpu.memref_slice %arg4[%run_scoped3A_63, %add3A_62, %dma_start3A_68] : memref<4x32768x32xf32, #tpu.memory_space<hbm>> -> memref<1x128x32xf32, #tpu.memory_space<hbm>>
        %dma_start3A_70 = tpu.memref_squeeze %dma_start3A_69 : memref<1x128x32xf32, #tpu.memory_space<hbm>> -> memref<128x32xf32, #tpu.memory_space<hbm>>
        tpu.enqueue_dma source(%arg6 : memref<128x32xf32, #tpu.memory_space<vmem>>) target(%dma_start3A_70 : memref<128x32xf32, #tpu.memory_space<hbm>>) target_semaphore(%run_scoped3A_64 : memref<!tpu.dma_semaphore, #tpu.memory_space<semaphore_mem>>)
        %dma_wait3A_71 = arith.constant 0 : i32
        %dma_wait3A_72 = tpu.memref_slice %arg4[%run_scoped3A_63, %add3A_62, %dma_wait3A_71] : memref<4x32768x32xf32, #tpu.memory_space<hbm>> -> memref<1x128x32xf32, #tpu.memory_space<hbm>>
        %dma_wait3A_73 = tpu.memref_squeeze %dma_wait3A_72 : memref<1x128x32xf32, #tpu.memory_space<hbm>> -> memref<128x32xf32, #tpu.memory_space<hbm>>
        %dma_wait3A_74 = arith.constant 0 : i32
        %dma_wait3A_75 = tpu.memref_slice %arg4[%run_scoped3A_63, %add3A_62, %dma_wait3A_74] : memref<4x32768x32xf32, #tpu.memory_space<hbm>> -> memref<1x128x32xf32, #tpu.memory_space<hbm>>
        %dma_wait3A_76 = tpu.memref_squeeze %dma_wait3A_75 : memref<1x128x32xf32, #tpu.memory_space<hbm>> -> memref<128x32xf32, #tpu.memory_space<hbm>>
        tpu.wait_dma2 semaphore(%run_scoped3A_64 : memref<!tpu.dma_semaphore, #tpu.memory_space<semaphore_mem>>) src(%arg6 : memref<128x32xf32, #tpu.memory_space<vmem>>) dst(%dma_wait3A_76 : memref<128x32xf32, #tpu.memory_space<hbm>>)
        tpu.yield
      }) : () -> ()
    }
    %while3A_37 = arith.constant 1 : i32
    scf.for %while3A_49 = %while3A_35 to %while3A_31 step %while3A_37  : i32 {
      %mul3A_50 = arith.constant 128 : i32
      %mul3A_51 = arith.muli %while3A_49, %mul3A_50 : i32
      %add3A_52 = arith.constant 2048 : i32
      %add3A_53 = arith.addi %add3A_52, %mul3A_51 : i32
      %dma_start3A = tpu.memref_slice %arg5[%add3A_53] : memref<4096xi32, #tpu.memory_space<vmem>> -> memref<128xi32, #tpu.memory_space<vmem>>
      %dma_start3A_54 = arith.constant 0 : i32
      %dma_start3A_55 = arith.constant 0 : i32
      %dma_start3A_56 = tpu.memref_slice %arg2[%dma_start3A_54, %dma_start3A_55] : memref<524288x32xf32, #tpu.memory_space<hbm>> -> memref<524288x32xf32, #tpu.memory_space<hbm>>
      tpu.enqueue_indirect_dma source(%dma_start3A_56 : memref<524288x32xf32, #tpu.memory_space<hbm>>) target(%arg6 : memref<128x32xf32, #tpu.memory_space<vmem>>) offsets(%dma_start3A : memref<128xi32, #tpu.memory_space<vmem>>) semaphore(%arg7 : memref<!tpu.dma_semaphore, #tpu.memory_space<semaphore_mem>>)
      %dma_wait3A = tpu.memref_slice %arg5[%add3A_53] : memref<4096xi32, #tpu.memory_space<vmem>> -> memref<128xi32, #tpu.memory_space<vmem>>
      %dma_wait3A_57 = arith.constant 0 : i32
      %dma_wait3A_58 = arith.constant 0 : i32
      %dma_wait3A_59 = tpu.memref_slice %arg2[%dma_wait3A_57, %dma_wait3A_58] : memref<524288x32xf32, #tpu.memory_space<hbm>> -> memref<524288x32xf32, #tpu.memory_space<hbm>>
      tpu.wait_indirect_dma semaphore(%arg7 : memref<!tpu.dma_semaphore, #tpu.memory_space<semaphore_mem>>) src(%dma_wait3A_59 : memref<524288x32xf32, #tpu.memory_space<hbm>>) dst(%arg6 : memref<128x32xf32, #tpu.memory_space<vmem>>)
      %mul3A_60 = arith.constant 128 : i32
      %mul3A_61 = arith.muli %while3A_49, %mul3A_60 : i32
      %add3A_62 = arith.addi %mul3A_2, %mul3A_61 : i32
      %run_scoped3A_63 = arith.constant 2 : i32
      "tpu.region"() ({
        %run_scoped3A_64 = tpu.sem_alloc : memref<!tpu.dma_semaphore, #tpu.memory_space<semaphore_mem>>
        %dma_start3A_65 = arith.constant 0 : i32
        %dma_start3A_66 = tpu.memref_slice %arg4[%run_scoped3A_63, %add3A_62, %dma_start3A_65] : memref<4x32768x32xf32, #tpu.memory_space<hbm>> -> memref<1x128x32xf32, #tpu.memory_space<hbm>>
        %dma_start3A_67 = tpu.memref_squeeze %dma_start3A_66 : memref<1x128x32xf32, #tpu.memory_space<hbm>> -> memref<128x32xf32, #tpu.memory_space<hbm>>
        %dma_start3A_68 = arith.constant 0 : i32
        %dma_start3A_69 = tpu.memref_slice %arg4[%run_scoped3A_63, %add3A_62, %dma_start3A_68] : memref<4x32768x32xf32, #tpu.memory_space<hbm>> -> memref<1x128x32xf32, #tpu.memory_space<hbm>>
        %dma_start3A_70 = tpu.memref_squeeze %dma_start3A_69 : memref<1x128x32xf32, #tpu.memory_space<hbm>> -> memref<128x32xf32, #tpu.memory_space<hbm>>
        tpu.enqueue_dma source(%arg6 : memref<128x32xf32, #tpu.memory_space<vmem>>) target(%dma_start3A_70 : memref<128x32xf32, #tpu.memory_space<hbm>>) target_semaphore(%run_scoped3A_64 : memref<!tpu.dma_semaphore, #tpu.memory_space<semaphore_mem>>)
        %dma_wait3A_71 = arith.constant 0 : i32
        %dma_wait3A_72 = tpu.memref_slice %arg4[%run_scoped3A_63, %add3A_62, %dma_wait3A_71] : memref<4x32768x32xf32, #tpu.memory_space<hbm>> -> memref<1x128x32xf32, #tpu.memory_space<hbm>>
        %dma_wait3A_73 = tpu.memref_squeeze %dma_wait3A_72 : memref<1x128x32xf32, #tpu.memory_space<hbm>> -> memref<128x32xf32, #tpu.memory_space<hbm>>
        %dma_wait3A_74 = arith.constant 0 : i32
        %dma_wait3A_75 = tpu.memref_slice %arg4[%run_scoped3A_63, %add3A_62, %dma_wait3A_74] : memref<4x32768x32xf32, #tpu.memory_space<hbm>> -> memref<1x128x32xf32, #tpu.memory_space<hbm>>
        %dma_wait3A_76 = tpu.memref_squeeze %dma_wait3A_75 : memref<1x128x32xf32, #tpu.memory_space<hbm>> -> memref<128x32xf32, #tpu.memory_space<hbm>>
        tpu.wait_dma2 semaphore(%run_scoped3A_64 : memref<!tpu.dma_semaphore, #tpu.memory_space<semaphore_mem>>) src(%arg6 : memref<128x32xf32, #tpu.memory_space<vmem>>) dst(%dma_wait3A_76 : memref<128x32xf32, #tpu.memory_space<hbm>>)
        tpu.yield
      }) : () -> ()
    }
    %while3A_38 = arith.constant 0 : i32
    %while3A_39 = arith.constant 0 : i32
    %while3A_40 = arith.constant 8 : i32
    %while3A_41 = arith.subi %while3A_40, %while3A_39 : i32
    %while3A_42 = arith.addi %while3A_39, %while3A_41 : i32
    %while3A_43 = arith.constant 1 : i32
    %while3A_44 = arith.divsi %while3A_41, %while3A_43 : i32
    %while3A_45 = arith.muli %while3A_44, %while3A_43 : i32
    %while3A_46 = arith.addi %while3A_39, %while3A_45 : i32
    %while3A_47 = arith.constant 1 : i32
    scf.for %while3A_49 = %while3A_39 to %while3A_46 step %while3A_47  : i32 {
      %mul3A_50 = arith.constant 128 : i32
      %mul3A_51 = arith.muli %while3A_49, %mul3A_50 : i32
      %add3A_52 = arith.constant 3072 : i32
      %add3A_53 = arith.addi %add3A_52, %mul3A_51 : i32
      %dma_start3A = tpu.memref_slice %arg5[%add3A_53] : memref<4096xi32, #tpu.memory_space<vmem>> -> memref<128xi32, #tpu.memory_space<vmem>>
      %dma_start3A_54 = arith.constant 0 : i32
      %dma_start3A_55 = arith.constant 0 : i32
      %dma_start3A_56 = tpu.memref_slice %arg2[%dma_start3A_54, %dma_start3A_55] : memref<524288x32xf32, #tpu.memory_space<hbm>> -> memref<524288x32xf32, #tpu.memory_space<hbm>>
      tpu.enqueue_indirect_dma source(%dma_start3A_56 : memref<524288x32xf32, #tpu.memory_space<hbm>>) target(%arg6 : memref<128x32xf32, #tpu.memory_space<vmem>>) offsets(%dma_start3A : memref<128xi32, #tpu.memory_space<vmem>>) semaphore(%arg7 : memref<!tpu.dma_semaphore, #tpu.memory_space<semaphore_mem>>)
      %dma_wait3A = tpu.memref_slice %arg5[%add3A_53] : memref<4096xi32, #tpu.memory_space<vmem>> -> memref<128xi32, #tpu.memory_space<vmem>>
      %dma_wait3A_57 = arith.constant 0 : i32
      %dma_wait3A_58 = arith.constant 0 : i32
      %dma_wait3A_59 = tpu.memref_slice %arg2[%dma_wait3A_57, %dma_wait3A_58] : memref<524288x32xf32, #tpu.memory_space<hbm>> -> memref<524288x32xf32, #tpu.memory_space<hbm>>
      tpu.wait_indirect_dma semaphore(%arg7 : memref<!tpu.dma_semaphore, #tpu.memory_space<semaphore_mem>>) src(%dma_wait3A_59 : memref<524288x32xf32, #tpu.memory_space<hbm>>) dst(%arg6 : memref<128x32xf32, #tpu.memory_space<vmem>>)
      %mul3A_60 = arith.constant 128 : i32
      %mul3A_61 = arith.muli %while3A_49, %mul3A_60 : i32
      %add3A_62 = arith.addi %mul3A_2, %mul3A_61 : i32
      %run_scoped3A_63 = arith.constant 3 : i32
      "tpu.region"() ({
        %run_scoped3A_64 = tpu.sem_alloc : memref<!tpu.dma_semaphore, #tpu.memory_space<semaphore_mem>>
        %dma_start3A_65 = arith.constant 0 : i32
        %dma_start3A_66 = tpu.memref_slice %arg4[%run_scoped3A_63, %add3A_62, %dma_start3A_65] : memref<4x32768x32xf32, #tpu.memory_space<hbm>> -> memref<1x128x32xf32, #tpu.memory_space<hbm>>
        %dma_start3A_67 = tpu.memref_squeeze %dma_start3A_66 : memref<1x128x32xf32, #tpu.memory_space<hbm>> -> memref<128x32xf32, #tpu.memory_space<hbm>>
        %dma_start3A_68 = arith.constant 0 : i32
        %dma_start3A_69 = tpu.memref_slice %arg4[%run_scoped3A_63, %add3A_62, %dma_start3A_68] : memref<4x32768x32xf32, #tpu.memory_space<hbm>> -> memref<1x128x32xf32, #tpu.memory_space<hbm>>
        %dma_start3A_70 = tpu.memref_squeeze %dma_start3A_69 : memref<1x128x32xf32, #tpu.memory_space<hbm>> -> memref<128x32xf32, #tpu.memory_space<hbm>>
        tpu.enqueue_dma source(%arg6 : memref<128x32xf32, #tpu.memory_space<vmem>>) target(%dma_start3A_70 : memref<128x32xf32, #tpu.memory_space<hbm>>) target_semaphore(%run_scoped3A_64 : memref<!tpu.dma_semaphore, #tpu.memory_space<semaphore_mem>>)
        %dma_wait3A_71 = arith.constant 0 : i32
        %dma_wait3A_72 = tpu.memref_slice %arg4[%run_scoped3A_63, %add3A_62, %dma_wait3A_71] : memref<4x32768x32xf32, #tpu.memory_space<hbm>> -> memref<1x128x32xf32, #tpu.memory_space<hbm>>
        %dma_wait3A_73 = tpu.memref_squeeze %dma_wait3A_72 : memref<1x128x32xf32, #tpu.memory_space<hbm>> -> memref<128x32xf32, #tpu.memory_space<hbm>>
        %dma_wait3A_74 = arith.constant 0 : i32
        %dma_wait3A_75 = tpu.memref_slice %arg4[%run_scoped3A_63, %add3A_62, %dma_wait3A_74] : memref<4x32768x32xf32, #tpu.memory_space<hbm>> -> memref<1x128x32xf32, #tpu.memory_space<hbm>>
        %dma_wait3A_76 = tpu.memref_squeeze %dma_wait3A_75 : memref<1x128x32xf32, #tpu.memory_space<hbm>> -> memref<128x32xf32, #tpu.memory_space<hbm>>
        tpu.wait_dma2 semaphore(%run_scoped3A_64 : memref<!tpu.dma_semaphore, #tpu.memory_space<semaphore_mem>>) src(%arg6 : memref<128x32xf32, #tpu.memory_space<vmem>>) dst(%dma_wait3A_76 : memref<128x32xf32, #tpu.memory_space<hbm>>)
        tpu.yield
      }) : () -> ()
    }
    %while3A_48 = arith.constant 1 : i32
    scf.for %while3A_49 = %while3A_46 to %while3A_42 step %while3A_48  : i32 {
      %mul3A_50 = arith.constant 128 : i32
      %mul3A_51 = arith.muli %while3A_49, %mul3A_50 : i32
      %add3A_52 = arith.constant 3072 : i32
      %add3A_53 = arith.addi %add3A_52, %mul3A_51 : i32
      %dma_start3A = tpu.memref_slice %arg5[%add3A_53] : memref<4096xi32, #tpu.memory_space<vmem>> -> memref<128xi32, #tpu.memory_space<vmem>>
      %dma_start3A_54 = arith.constant 0 : i32
      %dma_start3A_55 = arith.constant 0 : i32
      %dma_start3A_56 = tpu.memref_slice %arg2[%dma_start3A_54, %dma_start3A_55] : memref<524288x32xf32, #tpu.memory_space<hbm>> -> memref<524288x32xf32, #tpu.memory_space<hbm>>
      tpu.enqueue_indirect_dma source(%dma_start3A_56 : memref<524288x32xf32, #tpu.memory_space<hbm>>) target(%arg6 : memref<128x32xf32, #tpu.memory_space<vmem>>) offsets(%dma_start3A : memref<128xi32, #tpu.memory_space<vmem>>) semaphore(%arg7 : memref<!tpu.dma_semaphore, #tpu.memory_space<semaphore_mem>>)
      %dma_wait3A = tpu.memref_slice %arg5[%add3A_53] : memref<4096xi32, #tpu.memory_space<vmem>> -> memref<128xi32, #tpu.memory_space<vmem>>
      %dma_wait3A_57 = arith.constant 0 : i32
      %dma_wait3A_58 = arith.constant 0 : i32
      %dma_wait3A_59 = tpu.memref_slice %arg2[%dma_wait3A_57, %dma_wait3A_58] : memref<524288x32xf32, #tpu.memory_space<hbm>> -> memref<524288x32xf32, #tpu.memory_space<hbm>>
      tpu.wait_indirect_dma semaphore(%arg7 : memref<!tpu.dma_semaphore, #tpu.memory_space<semaphore_mem>>) src(%dma_wait3A_59 : memref<524288x32xf32, #tpu.memory_space<hbm>>) dst(%arg6 : memref<128x32xf32, #tpu.memory_space<vmem>>)
      %mul3A_60 = arith.constant 128 : i32
      %mul3A_61 = arith.muli %while3A_49, %mul3A_60 : i32
      %add3A_62 = arith.addi %mul3A_2, %mul3A_61 : i32
      %run_scoped3A_63 = arith.constant 3 : i32
      "tpu.region"() ({
        %run_scoped3A_64 = tpu.sem_alloc : memref<!tpu.dma_semaphore, #tpu.memory_space<semaphore_mem>>
        %dma_start3A_65 = arith.constant 0 : i32
        %dma_start3A_66 = tpu.memref_slice %arg4[%run_scoped3A_63, %add3A_62, %dma_start3A_65] : memref<4x32768x32xf32, #tpu.memory_space<hbm>> -> memref<1x128x32xf32, #tpu.memory_space<hbm>>
        %dma_start3A_67 = tpu.memref_squeeze %dma_start3A_66 : memref<1x128x32xf32, #tpu.memory_space<hbm>> -> memref<128x32xf32, #tpu.memory_space<hbm>>
        %dma_start3A_68 = arith.constant 0 : i32
        %dma_start3A_69 = tpu.memref_slice %arg4[%run_scoped3A_63, %add3A_62, %dma_start3A_68] : memref<4x32768x32xf32, #tpu.memory_space<hbm>> -> memref<1x128x32xf32, #tpu.memory_space<hbm>>
        %dma_start3A_70 = tpu.memref_squeeze %dma_start3A_69 : memref<1x128x32xf32, #tpu.memory_space<hbm>> -> memref<128x32xf32, #tpu.memory_space<hbm>>
        tpu.enqueue_dma source(%arg6 : memref<128x32xf32, #tpu.memory_space<vmem>>) target(%dma_start3A_70 : memref<128x32xf32, #tpu.memory_space<hbm>>) target_semaphore(%run_scoped3A_64 : memref<!tpu.dma_semaphore, #tpu.memory_space<semaphore_mem>>)
        %dma_wait3A_71 = arith.constant 0 : i32
        %dma_wait3A_72 = tpu.memref_slice %arg4[%run_scoped3A_63, %add3A_62, %dma_wait3A_71] : memref<4x32768x32xf32, #tpu.memory_space<hbm>> -> memref<1x128x32xf32, #tpu.memory_space<hbm>>
        %dma_wait3A_73 = tpu.memref_squeeze %dma_wait3A_72 : memref<1x128x32xf32, #tpu.memory_space<hbm>> -> memref<128x32xf32, #tpu.memory_space<hbm>>
        %dma_wait3A_74 = arith.constant 0 : i32
        %dma_wait3A_75 = tpu.memref_slice %arg4[%run_scoped3A_63, %add3A_62, %dma_wait3A_74] : memref<4x32768x32xf32, #tpu.memory_space<hbm>> -> memref<1x128x32xf32, #tpu.memory_space<hbm>>
        %dma_wait3A_76 = tpu.memref_squeeze %dma_wait3A_75 : memref<1x128x32xf32, #tpu.memory_space<hbm>> -> memref<128x32xf32, #tpu.memory_space<hbm>>
        tpu.wait_dma2 semaphore(%run_scoped3A_64 : memref<!tpu.dma_semaphore, #tpu.memory_space<semaphore_mem>>) src(%arg6 : memref<128x32xf32, #tpu.memory_space<vmem>>) dst(%dma_wait3A_76 : memref<128x32xf32, #tpu.memory_space<hbm>>)
        tpu.yield
      }) : () -> ()
    }
    return
  }
}

module attributes {stable_mosaic.version = 14 : i64} {
  func.func @_keys_body(%arg0: i32, %arg1: memref<2048x256xf32, #tpu.memory_space<vmem>>, %arg2: memref<256x64xf32, #tpu.memory_space<vmem>>, %arg3: memref<1x64xf32, #tpu.memory_space<vmem>>, %arg4: memref<64x128xf32, #tpu.memory_space<vmem>>, %arg5: memref<8x128xf32, #tpu.memory_space<vmem>>, %arg6: memref<8x128xf32, #tpu.memory_space<vmem>>, %arg7: memref<8x2048xi32, #tpu.memory_space<vmem>>) attributes {dimension_semantics = [#tpu.dimension_semantics<arbitrary>], iteration_bounds = array<i64: 16>, scalar_prefetch = 0 : i64, scratch_operands = 0 : i64, tpu.core_type = #tpu.core_type<tc>, window_params = [{transform_indices = @transform_0, window_bounds = array<i64: 2048, 256>}, {pipeline_mode = #tpu.pipeline_mode<synchronous>, transform_indices = @transform_1, window_bounds = array<i64: 256, 64>}, {pipeline_mode = #tpu.pipeline_mode<synchronous>, transform_indices = @transform_2, window_bounds = array<i64: 1, 64>}, {pipeline_mode = #tpu.pipeline_mode<synchronous>, transform_indices = @transform_3, window_bounds = array<i64: 64, 128>}, {pipeline_mode = #tpu.pipeline_mode<synchronous>, transform_indices = @transform_4, window_bounds = array<i64: 8, 128>}, {pipeline_mode = #tpu.pipeline_mode<synchronous>, transform_indices = @transform_5, window_bounds = array<i64: 8, 128>}, {transform_indices = @transform_6, window_bounds = array<i64: 8, 2048>}]} {
    %get3A = arith.constant 0 : index
    %get3A_0 = arith.constant 0 : index
    %get3A_1 = vector.load %arg1[%get3A, %get3A_0] : memref<2048x256xf32, #tpu.memory_space<vmem>>, vector<2048x256xf32>
    %get3A_2 = arith.constant 0 : index
    %get3A_3 = arith.constant 0 : index
    %get3A_4 = vector.load %arg2[%get3A_2, %get3A_3] : memref<256x64xf32, #tpu.memory_space<vmem>>, vector<256x64xf32>
    %dot_general3A = arith.constant dense<0.000000e+00> : vector<2048x64xf32>
    %dot_general3A_5 = tpu.matmul %get3A_1, %get3A_4, %dot_general3A {dimension_numbers = #tpu.dot_dimension_numbers<[1], [0], [0], [1], [0, 0, 1, 1], [], []>, transpose_lhs_hint = false} : vector<2048x256xf32>, vector<256x64xf32>, vector<2048x64xf32> -> vector<2048x64xf32>
    %get3A_6 = arith.constant 0 : index
    %get3A_7 = arith.constant 0 : index
    %get3A_8 = vector.load %arg3[%get3A_6, %get3A_7] : memref<1x64xf32, #tpu.memory_space<vmem>>, vector<1x64xf32>
    %add3A = vector.broadcast %get3A_8 : vector<1x64xf32> to vector<2048x64xf32>
    %add3A_9 = arith.addf %dot_general3A_5, %add3A : vector<2048x64xf32>
    %gt3A = arith.constant 0.000000e+00 : f32
    %gt3A_10 = vector.broadcast %gt3A : f32 to vector<2048x64xf32>
    %gt3A_11 = arith.cmpf ogt, %add3A_9, %gt3A_10 : vector<2048x64xf32>
    %convert_element_type3A = arith.extui %gt3A_11 : vector<2048x64xi1> to vector<2048x64xi32>
    %convert_element_type3A_12 = arith.sitofp %convert_element_type3A : vector<2048x64xi32> to vector<2048x64xf32>
    %get3A_13 = arith.constant 0 : index
    %get3A_14 = arith.constant 0 : index
    %get3A_15 = vector.load %arg4[%get3A_13, %get3A_14] : memref<64x128xf32, #tpu.memory_space<vmem>>, vector<64x128xf32>
    %dot_general3A_16 = arith.constant dense<0.000000e+00> : vector<2048x128xf32>
    %dot_general3A_17 = tpu.matmul %convert_element_type3A_12, %get3A_15, %dot_general3A_16 {dimension_numbers = #tpu.dot_dimension_numbers<[1], [0], [0], [1], [0, 0, 1, 1], [], []>, transpose_lhs_hint = false} : vector<2048x64xf32>, vector<64x128xf32>, vector<2048x128xf32> -> vector<2048x128xf32>
    %mul3A = arith.constant 5.000000e-01 : f32
    %mul3A_18 = vector.broadcast %mul3A : f32 to vector<2048x128xf32>
    %mul3A_19 = arith.mulf %dot_general3A_17, %mul3A_18 : vector<2048x128xf32>
    %floor3A = math.floor %mul3A_19 : vector<2048x128xf32>
    %mul3A_20 = arith.constant 2.000000e+00 : f32
    %mul3A_21 = vector.broadcast %mul3A_20 : f32 to vector<2048x128xf32>
    %mul3A_22 = arith.mulf %mul3A_21, %floor3A : vector<2048x128xf32>
    %sub3A = arith.subf %dot_general3A_17, %mul3A_22 : vector<2048x128xf32>
    %transpose3A = tpu.transpose %sub3A, [1, 0] : vector<2048x128xf32> -> vector<128x2048xf32>
    %get3A_23 = arith.constant 0 : index
    %get3A_24 = arith.constant 0 : index
    %get3A_25 = vector.load %arg5[%get3A_23, %get3A_24] : memref<8x128xf32, #tpu.memory_space<vmem>>, vector<8x128xf32>
    %dot_general3A_26 = arith.constant dense<0.000000e+00> : vector<8x2048xf32>
    %dot_general3A_27 = tpu.matmul %get3A_25, %transpose3A, %dot_general3A_26 {dimension_numbers = #tpu.dot_dimension_numbers<[1], [0], [0], [1], [0, 0, 1, 1], [], []>, transpose_lhs_hint = false} : vector<8x128xf32>, vector<128x2048xf32>, vector<8x2048xf32> -> vector<8x2048xf32>
    %get3A_28 = arith.constant 0 : index
    %get3A_29 = arith.constant 0 : index
    %get3A_30 = vector.load %arg6[%get3A_28, %get3A_29] : memref<8x128xf32, #tpu.memory_space<vmem>>, vector<8x128xf32>
    %slice3A = vector.extract_strided_slice %get3A_30 {offsets = [0, 0], sizes = [8, 1], strides = [1, 1]} : vector<8x128xf32> to vector<8x1xf32>
    %add3A_31 = vector.broadcast %slice3A : vector<8x1xf32> to vector<8x2048xf32>
    %add3A_32 = arith.addf %dot_general3A_27, %add3A_31 : vector<8x2048xf32>
    %convert_element_type3A_33 = arith.fptosi %add3A_32 : vector<8x2048xf32> to vector<8x2048xi32>
    %swap3A = arith.constant 0 : index
    %swap3A_34 = arith.constant 0 : index
    %swap3A_35 = vector.load %arg7[%swap3A, %swap3A_34] : memref<8x2048xi32, #tpu.memory_space<vmem>>, vector<8x2048xi32>
    tpu.vector_store %arg7[%swap3A, %swap3A_34], %convert_element_type3A_33 {strides = array<i32>} : memref<8x2048xi32, #tpu.memory_space<vmem>>, vector<8x2048xi32>,
    return
  }
  func.func @transform_0(%arg0: i32) -> (i32, i32) {
    %c0_i32 = arith.constant 0 : i32
    %c0_i32_0 = arith.constant 0 : i32
    return %arg0, %c0_i32 : i32, i32
  }
  func.func @transform_1(%arg0: i32) -> (i32, i32) {
    %c0_i32 = arith.constant 0 : i32
    %c0_i32_0 = arith.constant 0 : i32
    %c0_i32_1 = arith.constant 0 : i32
    return %c0_i32, %c0_i32_0 : i32, i32
  }
  func.func @transform_2(%arg0: i32) -> (i32, i32) {
    %c0_i32 = arith.constant 0 : i32
    %c0_i32_0 = arith.constant 0 : i32
    %c0_i32_1 = arith.constant 0 : i32
    return %c0_i32, %c0_i32_0 : i32, i32
  }
  func.func @transform_3(%arg0: i32) -> (i32, i32) {
    %c0_i32 = arith.constant 0 : i32
    %c0_i32_0 = arith.constant 0 : i32
    %c0_i32_1 = arith.constant 0 : i32
    return %c0_i32, %c0_i32_0 : i32, i32
  }
  func.func @transform_4(%arg0: i32) -> (i32, i32) {
    %c0_i32 = arith.constant 0 : i32
    %c0_i32_0 = arith.constant 0 : i32
    %c0_i32_1 = arith.constant 0 : i32
    return %c0_i32, %c0_i32_0 : i32, i32
  }
  func.func @transform_5(%arg0: i32) -> (i32, i32) {
    %c0_i32 = arith.constant 0 : i32
    %c0_i32_0 = arith.constant 0 : i32
    %c0_i32_1 = arith.constant 0 : i32
    return %c0_i32, %c0_i32_0 : i32, i32
  }
  func.func @transform_6(%arg0: i32) -> (i32, i32) {
    %c0_i32 = arith.constant 0 : i32
    %c0_i32_0 = arith.constant 0 : i32
    return %c0_i32, %arg0 : i32, i32
  }
}

module attributes {stable_mosaic.version = 14 : i64} {
  func.func @_out_body(%arg0: i32, %arg1: memref<4x2048x32xf32, #tpu.memory_space<vmem>>, %arg2: memref<128x256xf32, #tpu.memory_space<vmem>>, %arg3: memref<1x256xf32, #tpu.memory_space<vmem>>, %arg4: memref<2048x256xf32, #tpu.memory_space<vmem>>) attributes {dimension_semantics = [#tpu.dimension_semantics<arbitrary>], iteration_bounds = array<i64: 16>, scalar_prefetch = 0 : i64, scratch_operands = 0 : i64, tpu.core_type = #tpu.core_type<tc>, window_params = [{transform_indices = @transform_0, window_bounds = array<i64: 4, 2048, 32>}, {pipeline_mode = #tpu.pipeline_mode<synchronous>, transform_indices = @transform_1, window_bounds = array<i64: 128, 256>}, {pipeline_mode = #tpu.pipeline_mode<synchronous>, transform_indices = @transform_2, window_bounds = array<i64: 1, 256>}, {transform_indices = @transform_3, window_bounds = array<i64: 2048, 256>}]} {
    %get3A = arith.constant 0 : index
    %get3A_0 = arith.constant 0 : index
    %get3A_1 = arith.constant 0 : index
    %get3A_2 = vector.load %arg1[%get3A, %get3A_0, %get3A_1] : memref<4x2048x32xf32, #tpu.memory_space<vmem>>, vector<4x2048x32xf32>
    %get3A_3 = arith.constant 0 : index
    %get3A_4 = arith.constant 0 : index
    %get3A_5 = vector.load %arg2[%get3A_3, %get3A_4] : memref<128x256xf32, #tpu.memory_space<vmem>>, vector<128x256xf32>
    %slice3A = vector.extract_strided_slice %get3A_2 {offsets = [0, 0, 0], sizes = [1, 2048, 32], strides = [1, 1, 1]} : vector<4x2048x32xf32> to vector<1x2048x32xf32>
    %squeeze3A = vector.shape_cast %slice3A : vector<1x2048x32xf32> to vector<2048x32xf32>
    %slice3A_6 = vector.extract_strided_slice %get3A_5 {offsets = [0, 0], sizes = [32, 256], strides = [1, 1]} : vector<128x256xf32> to vector<32x256xf32>
    %dot_general3A = arith.constant dense<0.000000e+00> : vector<2048x256xf32>
    %dot_general3A_7 = tpu.matmul %squeeze3A, %slice3A_6, %dot_general3A {dimension_numbers = #tpu.dot_dimension_numbers<[1], [0], [0], [1], [0, 0, 1, 1], [], []>, transpose_lhs_hint = false} : vector<2048x32xf32>, vector<32x256xf32>, vector<2048x256xf32> -> vector<2048x256xf32>
    %slice3A_8 = vector.extract_strided_slice %get3A_2 {offsets = [1, 0, 0], sizes = [1, 2048, 32], strides = [1, 1, 1]} : vector<4x2048x32xf32> to vector<1x2048x32xf32>
    %squeeze3A_9 = vector.shape_cast %slice3A_8 : vector<1x2048x32xf32> to vector<2048x32xf32>
    %slice3A_10 = vector.extract_strided_slice %get3A_5 {offsets = [32, 0], sizes = [32, 256], strides = [1, 1]} : vector<128x256xf32> to vector<32x256xf32>
    %dot_general3A_11 = arith.constant dense<0.000000e+00> : vector<2048x256xf32>
    %dot_general3A_12 = tpu.matmul %squeeze3A_9, %slice3A_10, %dot_general3A_11 {dimension_numbers = #tpu.dot_dimension_numbers<[1], [0], [0], [1], [0, 0, 1, 1], [], []>, transpose_lhs_hint = false} : vector<2048x32xf32>, vector<32x256xf32>, vector<2048x256xf32> -> vector<2048x256xf32>
    %add3A = arith.addf %dot_general3A_7, %dot_general3A_12 : vector<2048x256xf32>
    %slice3A_13 = vector.extract_strided_slice %get3A_2 {offsets = [2, 0, 0], sizes = [1, 2048, 32], strides = [1, 1, 1]} : vector<4x2048x32xf32> to vector<1x2048x32xf32>
    %squeeze3A_14 = vector.shape_cast %slice3A_13 : vector<1x2048x32xf32> to vector<2048x32xf32>
    %slice3A_15 = vector.extract_strided_slice %get3A_5 {offsets = [64, 0], sizes = [32, 256], strides = [1, 1]} : vector<128x256xf32> to vector<32x256xf32>
    %dot_general3A_16 = arith.constant dense<0.000000e+00> : vector<2048x256xf32>
    %dot_general3A_17 = tpu.matmul %squeeze3A_14, %slice3A_15, %dot_general3A_16 {dimension_numbers = #tpu.dot_dimension_numbers<[1], [0], [0], [1], [0, 0, 1, 1], [], []>, transpose_lhs_hint = false} : vector<2048x32xf32>, vector<32x256xf32>, vector<2048x256xf32> -> vector<2048x256xf32>
    %add3A_18 = arith.addf %add3A, %dot_general3A_17 : vector<2048x256xf32>
    %slice3A_19 = vector.extract_strided_slice %get3A_2 {offsets = [3, 0, 0], sizes = [1, 2048, 32], strides = [1, 1, 1]} : vector<4x2048x32xf32> to vector<1x2048x32xf32>
    %squeeze3A_20 = vector.shape_cast %slice3A_19 : vector<1x2048x32xf32> to vector<2048x32xf32>
    %slice3A_21 = vector.extract_strided_slice %get3A_5 {offsets = [96, 0], sizes = [32, 256], strides = [1, 1]} : vector<128x256xf32> to vector<32x256xf32>
    %dot_general3A_22 = arith.constant dense<0.000000e+00> : vector<2048x256xf32>
    %dot_general3A_23 = tpu.matmul %squeeze3A_20, %slice3A_21, %dot_general3A_22 {dimension_numbers = #tpu.dot_dimension_numbers<[1], [0], [0], [1], [0, 0, 1, 1], [], []>, transpose_lhs_hint = false} : vector<2048x32xf32>, vector<32x256xf32>, vector<2048x256xf32> -> vector<2048x256xf32>
    %add3A_24 = arith.addf %add3A_18, %dot_general3A_23 : vector<2048x256xf32>
    %get3A_25 = arith.constant 0 : index
    %get3A_26 = arith.constant 0 : index
    %get3A_27 = vector.load %arg3[%get3A_25, %get3A_26] : memref<1x256xf32, #tpu.memory_space<vmem>>, vector<1x256xf32>
    %add3A_28 = vector.broadcast %get3A_27 : vector<1x256xf32> to vector<2048x256xf32>
    %add3A_29 = arith.addf %add3A_24, %add3A_28 : vector<2048x256xf32>
    %swap3A = arith.constant 0 : index
    %swap3A_30 = arith.constant 0 : index
    %swap3A_31 = vector.load %arg4[%swap3A, %swap3A_30] : memref<2048x256xf32, #tpu.memory_space<vmem>>, vector<2048x256xf32>
    tpu.vector_store %arg4[%swap3A, %swap3A_30], %add3A_29 {strides = array<i32>} : memref<2048x256xf32, #tpu.memory_space<vmem>>, vector<2048x256xf32>,
    return
  }
  func.func @transform_0(%arg0: i32) -> (i32, i32, i32) {
    %c0_i32 = arith.constant 0 : i32
    %c0_i32_0 = arith.constant 0 : i32
    %c0_i32_1 = arith.constant 0 : i32
    return %c0_i32, %arg0, %c0_i32_0 : i32, i32, i32
  }
  func.func @transform_1(%arg0: i32) -> (i32, i32) {
    %c0_i32 = arith.constant 0 : i32
    %c0_i32_0 = arith.constant 0 : i32
    %c0_i32_1 = arith.constant 0 : i32
    return %c0_i32, %c0_i32_0 : i32, i32
  }
  func.func @transform_2(%arg0: i32) -> (i32, i32) {
    %c0_i32 = arith.constant 0 : i32
    %c0_i32_0 = arith.constant 0 : i32
    %c0_i32_1 = arith.constant 0 : i32
    return %c0_i32, %c0_i32_0 : i32, i32
  }
  func.func @transform_3(%arg0: i32) -> (i32, i32) {
    %c0_i32 = arith.constant 0 : i32
    %c0_i32_0 = arith.constant 0 : i32
    return %arg0, %c0_i32 : i32, i32
  }
}

</mosaic_0001>

<sc_bundles>
// kernel: kernel.5.cloned.1.call-start
scs
__scs_entry_jumppad:
0x0: {  	(pc) =	sbr.rel $0x88, $3  }
0x1: {  	(tag) =	ssettag $0x0;
	lr =	simm.s32 $0x1  }
0x2: {  	[smem:$0x3F9B] =	sst lr;
	_ =	strace $0xD0000000  }
0x3: {  	_ = 	snop  }
0x4: {  	_ = 	snop  }
0x5: {  	_ = 	snop  }
0x6: {  	_ = 	snop  }
0x7: {  	_ = 	snop  }
__scs_overlays_trampoline_lowered:
0x8: {  	[smem:$0x3FAA] =	sst s0  }
0x9: {  	[smem:$0x3FAB] =	sst s1  }
0xa: {  	[smem:$0x3FAC] =	sst s2  }
0xb: {  	[smem:$0x3FAD] =	sst s3  }
0xc: {  	[smem:$0x3FAE] =	sst s4  }
0xd: {  	[smem:$0x3FAF] =	sst s5  }
0xe: {  	[smem:$0x3FB0] =	sst s6  }
0xf: {  	[smem:$0x3FB1] =	sst s7  }
0x10: {  	[smem:$0x3FB2] =	sst s8  }
0x11: {  	[smem:$0x3FB3] =	sst s9;
	s0 =	simm.s32 @!p0 $0x0  }
0x12: {  	s1 =	sld [smem:$0x3F99];
	s0 =	simm.s32 @p0 $0x1  }
0x13: {  	[smem:$0x3FB4] =	sst s0;
	s0 =	simm.s32 @!p1 $0x0  }
0x14: {  	s2 =	sld [smem:$0x3F98];
	s0 =	simm.s32 @p1 $0x1  }
0x15: {  	[smem:$0x3FB5] =	sst s0;
	s0 =	simm.s32 @!p2 $0x0  }
0x16: {  	s3 =	sld [smem:$0x3FDB];
	s0 =	simm.s32 @p2 $0x1  }
0x17: {  	s4 =	simm.s32 $0x1BF5;
	[smem:$0x3FB7] =	sst s0  }
0x18: {  	s0 =	sld [smem:$0x3F9A];
	_ =	swait.ge [sflag:s4], $0x0  }
0x19: {  	s7 =	sld [smem:$0x3F9B]  }
0x1a: {  	s8 =	sadd.s32 $0xFFFFE003, lr  }
0x1b: {  	s9 =	sadd.s32 $0xFFFFFEF7, lr;
	s5 =	simm.s32 $0xFFFFFFFF;
	p2 =	slt.u32 s8, $0xFFFFF086  }
0x1c: {  	p1 =	slt.u32 s9, $0xF7A;
	s5 =	simm.s32 @!p2 $0x0  }
0x1d: {  	s5 =	simm.s32 @p1 $0x1;
	p0 =	seq.s32 s7, s2  }
0x1e: {  	s7 =	smul.u32 @!p0 $0xF7A, s2;
	p2 =	seq.s32 @!p0 s5, $0x0  }
0x1f: {  	s9 =	smul.u32 $0xF7A, s1;
	s8 =	simm.s32 @!p0 $0x1BF5;
	p2 =	por !p2, p0  }
0x20: {  	[sflag:s8] =	ssyncset.s32 @!p0 $0xFFFFF086;
	s6 =	sadd.s32 @!p0 s3, s7;
	s7 =	simm.s32 @!p0 $0x108  }
0x21: {  	s3 =	sadd.s32 s3, s9;
	s6 =	sadd.s32 @!p0 $0x88, s6;
	s7 =	simm.s32 @p2 $0x1082  }
0x22: {  	[simem:s7], [sflag:s8] =	dma.local @!p0 [hbm:s6], $0xF7A  }
0x23: {  	s9 =	sor.u32 $0xD0000000, s2;
	s6 =	simm.s32 $0x108;
	_ =	swait.ge @!p0 [sflag:s8], $0x0  }
0x24: {  	s3 =	sadd.s32 $0x88, s3;
	s6 =	simm.s32 @!p1 $0x1082;
	[sflag:s4] =	ssyncset.s32 $0xFFFFF086  }
0x25: {  	[simem:s6], [sflag:s4] =	dma.local [hbm:s3], $0xF7A  }
0x26: {  	[smem:$0x3F9B] =	sst s1;
	(tag) =	ssettag s2;
	_ =	strace s9  }
0x27: {  	s1 =	sld [smem:$0x3FAB]  }
0x28: {  	s2 =	sld [smem:$0x3FAC]  }
0x29: {  	s4 =	sld [smem:$0x3FAE]  }
0x2a: {  	p0 =	seq.s32 s5, $0x0;
	s5 =	sld [smem:$0x3FAF]  }
0x2b: {  	s6 =	sld [smem:$0x3FB0]  }
0x2c: {  	s7 =	sld [smem:$0x3FB1]  }
0x2d: {  	s3 =	simm.s32 $0x108;
	s8 =	sld [smem:$0x3FB2]  }
0x2e: {  	s3 =	simm.s32 @!p0 $0x1082;
	s9 =	sld [smem:$0x3FB3]  }
0x2f: {  	lr =	sadd.s32 s0, s3;
	s0 =	sld [smem:$0x3FAA]  }
0x30: {  	s3 =	sld [smem:$0x3FAD]  }
0x31: {  	[smem:$0x3FB6] =	sst s10  }
0x32: {  	s10 =	sld [smem:$0x3FB4];
	_ =	sdelay $0x3  }
0x33: {  	p0 =	seq.s32 s10, $0x1;
	s10 =	sld [smem:$0x3FB6];
	_ =	sdelay $0x3  }
0x34: {  	[smem:$0x3FB6] =	sst s10  }
0x35: {  	s10 =	sld [smem:$0x3FB5];
	_ =	sdelay $0x3  }
0x36: {  	p1 =	seq.s32 s10, $0x1;
	s10 =	sld [smem:$0x3FB6];
	_ =	sdelay $0x3  }
0x37: {  	[smem:$0x3FB6] =	sst s10  }
0x38: {  	s10 =	sld [smem:$0x3FB7]  }
0x39: {  	_ = 	snop;
	(pc) =	sbr.ind lr, $3  }
0x3a: {  	_ = 	snop  }
0x3b: {  	_ = 	snop  }
0x3c: {  	p2 =	seq.s32 s10, $0x1;
	s10 =	sld [smem:$0x3FB6]  }
0x3d: {  	_ =	shalt  }
0x3e: {  	_ =	shalt  }
0x3f: {  	_ =	shalt  }
0x40: {  	_ =	shalt  }
0x41: {  	_ =	shalt  }
0x42: {  	_ =	shalt  }
0x43: {  	_ =	shalt  }
0x44: {  	_ =	shalt  }
0x45: {  	_ =	shalt  }
0x46: {  	_ =	shalt  }
0x47: {  	_ =	shalt  }
0x48: {  	_ =	shalt  }
0x49: {  	_ =	shalt  }
0x4a: {  	_ =	shalt  }
0x4b: {  	_ =	shalt  }
0x4c: {  	_ =	shalt  }
0x4d: {  	_ =	shalt  }
0x4e: {  	_ =	shalt  }
0x4f: {  	_ =	shalt  }
0x50: {  	_ =	shalt  }
0x51: {  	_ =	shalt  }
0x52: {  	_ =	shalt  }
0x53: {  	_ =	shalt  }
0x54: {  	_ =	shalt  }
0x55: {  	_ =	shalt  }
0x56: {  	_ =	shalt  }
0x57: {  	_ =	shalt  }
0x58: {  	_ =	shalt  }
0x59: {  	_ =	shalt  }
0x5a: {  	_ =	shalt  }
0x5b: {  	_ =	shalt  }
0x5c: {  	_ =	shalt  }
0x5d: {  	_ =	shalt  }
0x5e: {  	_ =	shalt  }
0x5f: {  	_ =	shalt  }
0x60: {  	_ =	shalt  }
0x61: {  	_ =	shalt  }
0x62: {  	_ =	shalt  }
0x63: {  	_ =	shalt  }
0x64: {  	_ =	shalt  }
0x65: {  	_ =	shalt  }
0x66: {  	_ =	shalt  }
0x67: {  	_ =	shalt  }
0x68: {  	_ =	shalt  }
0x69: {  	_ =	shalt  }
0x6a: {  	_ =	shalt  }
0x6b: {  	_ =	shalt  }
0x6c: {  	_ =	shalt  }
0x6d: {  	_ =	shalt  }
0x6e: {  	_ =	shalt  }
0x6f: {  	_ =	shalt  }
0x70: {  	_ =	shalt  }
0x71: {  	_ =	shalt  }
0x72: {  	_ =	shalt  }
0x73: {  	_ =	shalt  }
0x74: {  	_ =	shalt  }
0x75: {  	_ =	shalt  }
0x76: {  	_ =	shalt  }
0x77: {  	_ =	shalt  }
0x78: {  	_ =	shalt  }
0x79: {  	_ =	shalt  }
0x7a: {  	_ =	shalt  }
0x7b: {  	_ =	shalt  }
0x7c: {  	_ =	shalt  }
0x7d: {  	_ =	shalt  }
0x7e: {  	_ =	shalt  }
0x7f: {  	_ =	shalt  }
0x80: {  	_ =	shalt  }
0x81: {  	_ =	shalt  }
0x82: {  	_ =	shalt  }
0x83: {  	_ =	shalt  }
0x84: {  	_ =	shalt  }
0x85: {  	_ =	shalt  }
0x86: {  	_ =	shalt  }
0x87: {  	_ =	shalt  }
.Lfunc_end0:
.L_simem_size_0:
called_computation_lowered:
.L_overlay_start_0:
0x88: {  	s2 =	sld [smem:$0x3FD9]  }
0x89: {  	s3 =	sld [smem:$0x3FFE];
	_ =	sdelay $0x1  }
0x8a: {  	s1 =	srdreg.scid  }
0x8b: {  	s0 =	sand.u32 $0x1, s1  }
0x8c: {  	s17 =	sshll.u32 s0, $0xA;
	s2 =	sadd.s32 s3, s2  }
0x8d: {  	s2 =	sadd.s32 s2, s17  }
0x8e: {  	[smem:$0x3FC2] =	sst s2  }
0x8f: {  	_ = 	snop  }
0x90: {  	s2 =	sld [smem:$0x3FD0];
	(tm) =	ssettm $0x1  }
0x91: {  	s18 =	sld [smem:$0x3FFB];
	_ =	sdelay $0x3  }
0x92: {  	_ =	strace s18  }
0x93: {  	s3 =	sld [smem:$0x3FFC];
	_ =	sdelay $0x3  }
0x94: {  	_ =	strace s3  }
0x95: {  	s3 =	sld [smem:$0x3FFD];
	_ =	sdelay $0x3  }
0x96: {  	_ =	strace s3  }
0x97: {  	_ =	strace $0x8FFFFFFF  }
0x98: {  	s19 =	sld [smem:$0x3FDB];
	_ =	sdelay $0x1  }
0x99: {  	s4 =	simm.s32 $_scs_section_size  }
0x9a: {  	s5 =	simm.s32 $_size__tile_overlayer_lowered;
	s6 =	simm.s32 $_tile_overlayer_lowered  }
0x9b: {  	s22 =	simm.s32 $0x1BFF;
	s21 =	sshll.u32 s6, $0x1;
	s3 =	sadd.s32 s4, s19  }
0x9c: {  	s7 =	simm.s32 $0x0;
	s20 =	sshll.u32 s5, $0x1;
	s5 =	sadd.s32 s21, s3  }
0x9d: {  	[timem:s7], [sflag:s22] =	dma.local [hbm:s5], s20  }
0x9e: {  	_ =	swait.ge [sflag:s22], s20  }
0x9f: {  	s4 =	ssub.s32 $0x0, s20;
	[sflag:s22] =	ssyncset.done $0x0  }
0xa0: {  	[sflag:s22] =	ssyncadd.s32 s4;
	_ =	sdelay $0x1  }
0xa1: {  	s23 =	simm.s32 $0x1B8B  }
0xa2: {  	_ =	swait.ge [sflag:s23], $0x1  }
0xa3: {  	[sflag:s23] =	ssyncset.done $0x0  }
0xa4: {  	s25 =	simm.s32 $0x1B8E;
	s24 =	sld [smem:$0x3FFE];
	[sflag:s23] =	ssyncadd.s32 $0xFFFFFFFF  }
0xa5: {  	s26 =	simm.s32 $execute0_lowered;
	[smem:$0x3FD2] =	sst s25  }
0xa6: {  	s5 =	sshll.u32 s26, $0x1;
	_ =	strace $0x80000046;
	[dreg:$0x1] =	wrdreg $0xFFFFFFFF  }
0xa7: {  	s28 =	simm.s32 $_size_execute0_lowered;
	s3 =	sadd.s32 s3, s5;
	[dreg:$0x0] =	wrdreg $0x0  }
0xa8: {  	s5 =	sshll.u32 s28, $0x1;
	[dreg:$0x2] =	wrdreg s3  }
0xa9: {  	[dreg:$0x3] =	wrdreg s5  }
0xaa: {  	[dreg:$0x4] =	wrdreg $0xC0  }
0xab: {  	_ =	task [dreg:s7], $0x5FFFF  }
0xac: {  	[dreg:$0x1] =	wrdreg $0xFFFFFFFF  }
0xad: {  	[dreg:$0x0] =	wrdreg $0x60  }
0xae: {  	[dreg:$0x2] =	wrdreg s24  }
0xaf: {  	[dreg:$0x3] =	wrdreg s2  }
0xb0: {  	[dreg:$0x4] =	wrdreg $0x9  }
0xb1: {  	_ =	task.clear_ibuf [dreg:s7], $0x5FFFF;
	_ =	strace $0x90000046  }
0xb2: {  	s29 =	simm.s32 $0x9;
	_ =	strace $0x80000048  }
0xb3: {  	_ =	swait.ge [sflag:s29], $0x1  }
0xb4: {  	[sflag:s29] =	ssyncadd.s32 $0xFFFFFFFF  }
0xb5: {  	_ =	strace $0x90000048  }
0xb6: {  	_ =	sfence  }
0xb7: {  	s30 =	sld [smem:$0x0];
	_ =	sdelay $0x2  }
0xb8: {  	s31 =	sshll.u32 s1, $0xD;
	s1 =	sshrl.u32 s1, $0x2  }
0xb9: {  	s3 =	sand.u32 $0x4000, s31;
	s1 =	sadd.s32 s1, s30  }
0xba: {  	s0 =	sor.u32 s3, s0;
	s1 =	sshll.u32 s1, $0x11  }
0xbb: {  	s0 =	sor.u32 s1, s0  }
0xbc: {  	s0 =	sadd.s32 $0x8F2B, s0  }
0xbd: {  	[sflag:s0] =	ssyncadd.remote.s32 $0x1  }
0xbe: {  	_ =	sfence.sel $0xFFFF  }
0xbf: {  	[dreg:$0x0] =	wrdreg $0xFFFFFFFF;
	(pc) =	sbr.abs _section_cstart, $3  }
0xc0: {  	[dreg:$0x1] =	wrdreg $0xFFFFFFFF  }
0xc1: {  	_ =	task.clear_ibuf [dreg:s7], $0x2FFFF;
	_ =	strace $0x9FFFFFFF  }
0xc2: {  	(tm) =	ssettm $0x7FFFFFFF  }
0xc3: {  	_ =	shalt  }
tec
execute0_lowered:
.L_overlay_start_1:
0x0: {  	(tag) =	ssettag $0x1  }
0x1: {  	s0 =	srdreg.scid  }
0x2: {  	s2 =	stileid.u32;
	s1 =	sand.u32 $0x1, s0  }
0x3: {  	s3 =	rddreg [dreg:$0x0];
	s12 =	sshll.u32 s2, $0xB;
	s13 =	sshll.u32 s1, $0xA  }
0x4: {  	s4 =	rddreg [dreg:$0x1];
	s2 =	simm.s32 $0x0;
	s0 =	sor.u32 s13, s12  }
0x5: {  	[smem:$0x7FF] =	sst s2;
	s5 =	sshrl.u32 s0, $0x3;
	s0 =	sshll.u32 s0, $0x2  }
0x6: {  	_ =	strace $0x80000047;
	s13 =	sadd.s32 $0x20000, s4;
	s16 =	sadd.s32 s4, s0  }
0x7: {  	s5 =	sadd.s32 s5, s3;
	s24 =	sadd.s32 s0, s13;
	[dreg:$0x7] =	wrdreg s16  }
0x8: {  	s6 =	sadd.s32 $0x1200, s5;
	[dreg:$0xf] =	wrdreg s24  }
0x9: {  	s14 =	sadd.s32 $0x2200, s5;
	[dreg:$0x3] =	wrdreg s6  }
0xa: {  	s15 =	sadd.s32 $0x3200, s5;
	[dreg:$0x4] =	wrdreg s14  }
0xb: {  	s7 =	sor.u32 $0x400, s0;
	s5 =	sadd.s32 $0x4200, s5;
	[dreg:$0x5] =	wrdreg s15  }
0xc: {  	s8 =	sor.u32 $0x600, s0;
	s18 =	sadd.s32 s4, s7;
	[dreg:$0x6] =	wrdreg s5  }
0xd: {  	s9 =	sor.u32 $0x800, s0;
	s19 =	sadd.s32 s4, s8;
	[dreg:$0x9] =	wrdreg s18  }
0xe: {  	s10 =	sor.u32 $0xA00, s0;
	s20 =	sadd.s32 s4, s9;
	[dreg:$0xa] =	wrdreg s19  }
0xf: {  	s11 =	sor.u32 $0xC00, s0;
	s21 =	sadd.s32 s4, s10;
	[dreg:$0xb] =	wrdreg s20  }
0x10: {  	s12 =	sor.u32 $0xE00, s0;
	s22 =	sadd.s32 s4, s11;
	[dreg:$0xc] =	wrdreg s21  }
0x11: {  	s23 =	sadd.s32 s4, s12;
	[dreg:$0xd] =	wrdreg s22  }
0x12: {  	s26 =	sadd.s32 s7, s13;
	[dreg:$0xe] =	wrdreg s23  }
0x13: {  	s16 =	sadd.s32 s10, s13;
	[dreg:$0x11] =	wrdreg s26  }
0x14: {  	s14 =	sadd.s32 s8, s13;
	[dreg:$0x14] =	wrdreg s16  }
0x15: {  	s15 =	sadd.s32 s9, s13;
	[dreg:$0x12] =	wrdreg s14  }
0x16: {  	s6 =	sor.u32 $0x200, s0;
	s18 =	sadd.s32 s12, s13;
	[dreg:$0x13] =	wrdreg s15  }
0x17: {  	s17 =	sadd.s32 s4, s6;
	[dreg:$0x16] =	wrdreg s18  }
0x18: {  	s31 =	simm.s32 $0x400;
	s25 =	sadd.s32 s6, s13;
	[dreg:$0x8] =	wrdreg s17  }
0x19: {  	s14 =	sadd.s32 $0x40000, s4;
	[dreg:$0x10] =	wrdreg s25;
	s17 =	sadd.s32 s11, s13  }
0x1a: {  	s30 =	simm.s32 $0x500;
	s19 =	sadd.s32 s0, s14;
	[dreg:$0x15] =	wrdreg s17  }
0x1b: {  	s29 =	simm.s32 $0x580;
	s20 =	sadd.s32 s6, s14;
	[dreg:$0x17] =	wrdreg s19  }
0x1c: {  	s28 =	simm.s32 $0x600;
	s21 =	sadd.s32 s7, s14;
	[dreg:$0x18] =	wrdreg s20  }
0x1d: {  	p0 =	por $0x0, $0x0;
	s22 =	sadd.s32 s8, s14;
	[dreg:$0x19] =	wrdreg s21  }
0x1e: {  	s1 =	ssub.s32 $0x2, s1;
	s23 =	sadd.s32 s9, s14;
	[dreg:$0x1a] =	wrdreg s22  }
0x1f: {  	s3 =	sadd.s32 $0x801200, s3;
	s24 =	sadd.s32 s10, s14;
	[dreg:$0x1b] =	wrdreg s23  }
0x20: {  	s5 =	simm.s32 $0x1000;
	s25 =	sadd.s32 s11, s14;
	[dreg:$0x1c] =	wrdreg s24  }
0x21: {  	s4 =	sadd.s32 $0x60000, s4;
	s26 =	sadd.s32 s12, s14;
	[dreg:$0x1d] =	wrdreg s25  }
0x22: {  	s18 =	sshrl.u32 s1, $0x1;
	s0 =	sadd.s32 s0, s4;
	[dreg:$0x1e] =	wrdreg s26  }
0x23: {  	s6 =	sadd.s32 s6, s4;
	s13 =	sadd.s32 s7, s4;
	[dreg:$0x1f] =	wrdreg s0  }
0x24: {  	s14 =	sadd.s32 s8, s4;
	s15 =	sadd.s32 s9, s4;
	[smem:$0x7F0] =	sst s6  }
0x25: {  	s16 =	sadd.s32 s10, s4;
	s1 =	ssub.s32 s1, s18;
	[smem:$0x7F1] =	sst s13  }
0x26: {  	s7 =	simm.s32 $0x1;
	s18 =	simm.s32 $0xA80;
	[smem:$0x7F2] =	sst s14  }
0x27: {  	s10 =	simm.s32 $0xE80;
	s9 =	simm.s32 $0xF00;
	[smem:$0x7F3] =	sst s15  }
0x28: {  	s8 =	simm.s32 $0xF80;
	[smem:$0x7F4] =	sst s16;
	s17 =	sadd.s32 s11, s4  }
0x29: {  	s19 =	sadd.s32 s12, s4;
	s20 =	simm.s32 $0x100;
	s0 =	rddreg [dreg:$0x3]  }
0x2a: {  	s1 =	smax.u32 s1, $0x1;
	s21 =	simm.s32 $0x180;
	[smem:$0x7F5] =	sst s17  }
0x2b: {  	s4 =	simm.s32 $0x2;
	s22 =	simm.s32 $0x200;
	[smem:$0x7F6] =	sst s19  }
0x2c: {  	s23 =	simm.s32 $0x280;
	s24 =	simm.s32 $0x300;
	[smem:$0x7F7] =	sst s20  }
0x2d: {  	s12 =	simm.s32 $0xC00;
	s25 =	simm.s32 $0x380;
	[smem:$0x7F8] =	sst s21  }
0x2e: {  	s6 =	simm.s32 $0x80;
	s26 =	simm.s32 $0x480;
	[smem:$0x7F9] =	sst s22  }
0x2f: {  	s16 =	simm.s32 $0xB80;
	s15 =	simm.s32 $0xC80;
	[smem:$0x7FA] =	sst s23  }
0x30: {  	s14 =	simm.s32 $0xD00;
	[smem:$0x7FB] =	sst s24;
	p1 =	sne.s32 s1, $0x1  }
.Ltmp0:
0x31: {  	s13 =	simm.s32 $0xD80;
	[smem:$0x7FC] =	sst s25;
	(pc) =	sbr.rel @!p1 .LBB2_3-.Ltmp0, $4  }
0x32: {  	s11 =	simm.s32 $0xE00;
	s21 =	simm.s32 $0x800;
	[smem:$0x7FD] =	sst s26  }
0x33: {  	s26 =	simm.s32 $0x680;
	s25 =	simm.s32 $0x700;
	s24 =	simm.s32 $0x780  }
0x34: {  	s23 =	simm.s32 $0x880;
	s22 =	simm.s32 $0x900;
	s20 =	simm.s32 $0x980  }
0x35: {  	s19 =	simm.s32 $0xA00;
	s17 =	simm.s32 $0xB00;
	s1 =	sadd.s32 $0xFFFFFFFF, s1  }
0x36: {  	[tilespmem:s2], [sflag:$0x2] =	stream.linear.gather [hbm4b:s0+s2], $0x400, $0x38;
	[tilespmem:$0x2000] =	vst v63  }
0x37: {  	_ =	swait.ge [sflag:s4], $0x400  }
0x38: {  	[sflag:s4] =	ssyncset.done $0x0  }
0x39: {  	s0 =	rddreg [dreg:$0x4];
	[sflag:s4] =	ssyncadd.s32 $0xFFFFFC00  }
0x3a: {  	[tilespmem:s31], [sflag:$0x2] =	stream.linear.gather [hbm4b:s0+s2], $0x400, $0x38;
	[tilespmem:$0x2000] =	vst v63  }
0x3b: {  	_ =	swait.ge [sflag:s4], $0x400  }
0x3c: {  	[sflag:s4] =	ssyncset.done $0x0  }
0x3d: {  	s0 =	rddreg [dreg:$0x5];
	[sflag:s4] =	ssyncadd.s32 $0xFFFFFC00  }
0x3e: {  	[tilespmem:s21], [sflag:$0x2] =	stream.linear.gather [hbm4b:s0+s2], $0x400, $0x38;
	[tilespmem:$0x2000] =	vst v63  }
0x3f: {  	_ =	swait.ge [sflag:s4], $0x400  }
0x40: {  	[sflag:s4] =	ssyncset.done $0x0  }
0x41: {  	s0 =	rddreg [dreg:$0x6];
	[sflag:s4] =	ssyncadd.s32 $0xFFFFFC00  }
0x42: {  	[tilespmem:s12], [sflag:$0x2] =	stream.linear.gather [hbm4b:s0+s2], $0x400, $0x38;
	[tilespmem:$0x2000] =	vst v63  }
0x43: {  	_ =	swait.ge [sflag:s4], $0x400  }
0x44: {  	[sflag:s4] =	ssyncset.done $0x0  }
0x45: {  	[sflag:s4] =	ssyncadd.s32 $0xFFFFFC00  }
0x46: {  	[tilespmem:s5], [sflag:$0x1] =	stream.indirect.gather [hbm4b:s3+s6], $0x20, s2, s6, $0xb8;
	[tilespmem:$0x2000] =	vst v63  }
0x47: {  	_ =	swait.ge [sflag:s7], $0x1000  }
0x48: {  	[sflag:s7] =	ssyncset.done $0x0  }
0x49: {  	s0 =	rddreg [dreg:$0x7];
	[sflag:s7] =	ssyncadd.s32 $0xFFFFF000  }
0x4a: {  	[hbm4b:s0+s2] =	stream.linear.scatter [tilespmem:s5], [sflag:$0x2], $0x1000, $0x38;
	[tilespmem:$0x2000] =	vst v63  }
0x4b: {  	_ =	swait.ge [sflag:s4], $0x1000  }
0x4c: {  	[sflag:s4] =	ssyncset.done $0x0  }
0x4d: {  	[sflag:s4] =	ssyncadd.s32 $0xFFFFF000  }
0x4e: {  	[tilespmem:s5], [sflag:$0x1] =	stream.indirect.gather [hbm4b:s3+s6], $0x20, s6, s6, $0xb8;
	[tilespmem:$0x2000] =	vst v63  }
0x4f: {  	_ =	swait.ge [sflag:s7], $0x1000  }
0x50: {  	[sflag:s7] =	ssyncset.done $0x0  }
0x51: {  	s0 =	rddreg [dreg:$0x8];
	[sflag:s7] =	ssyncadd.s32 $0xFFFFF000  }
0x52: {  	[hbm4b:s0+s2] =	stream.linear.scatter [tilespmem:s5], [sflag:$0x2], $0x1000, $0x38;
	[tilespmem:$0x2000] =	vst v63  }
0x53: {  	_ =	swait.ge [sflag:s4], $0x1000  }
0x54: {  	s0 =	sld [smem:$0x7F7]  }
0x55: {  	[sflag:s4] =	ssyncset.done $0x0  }
0x56: {  	[sflag:s4] =	ssyncadd.s32 $0xFFFFF000  }
0x57: {  	[tilespmem:s5], [sflag:$0x1] =	stream.indirect.gather [hbm4b:s3+s6], $0x20, s0, s6, $0xb8;
	[tilespmem:$0x2000] =	vst v63  }
0x58: {  	_ =	swait.ge [sflag:s7], $0x1000  }
0x59: {  	[sflag:s7] =	ssyncset.done $0x0  }
0x5a: {  	s0 =	rddreg [dreg:$0x9];
	[sflag:s7] =	ssyncadd.s32 $0xFFFFF000  }
0x5b: {  	[hbm4b:s0+s2] =	stream.linear.scatter [tilespmem:s5], [sflag:$0x2], $0x1000, $0x38;
	[tilespmem:$0x2000] =	vst v63  }
0x5c: {  	_ =	swait.ge [sflag:s4], $0x1000  }
0x5d: {  	s0 =	sld [smem:$0x7F8]  }
0x5e: {  	[sflag:s4] =	ssyncset.done $0x0  }
0x5f: {  	[sflag:s4] =	ssyncadd.s32 $0xFFFFF000  }
0x60: {  	[tilespmem:s5], [sflag:$0x1] =	stream.indirect.gather [hbm4b:s3+s6], $0x20, s0, s6, $0xb8;
	[tilespmem:$0x2000] =	vst v63  }
0x61: {  	_ =	swait.ge [sflag:s7], $0x1000  }
0x62: {  	[sflag:s7] =	ssyncset.done $0x0  }
0x63: {  	s0 =	rddreg [dreg:$0xa];
	[sflag:s7] =	ssyncadd.s32 $0xFFFFF000  }
0x64: {  	[hbm4b:s0+s2] =	stream.linear.scatter [tilespmem:s5], [sflag:$0x2], $0x1000, $0x38;
	[tilespmem:$0x2000] =	vst v63  }
0x65: {  	_ =	swait.ge [sflag:s4], $0x1000  }
0x66: {  	s0 =	sld [smem:$0x7F9]  }
0x67: {  	[sflag:s4] =	ssyncset.done $0x0  }
0x68: {  	[sflag:s4] =	ssyncadd.s32 $0xFFFFF000  }
0x69: {  	[tilespmem:s5], [sflag:$0x1] =	stream.indirect.gather [hbm4b:s3+s6], $0x20, s0, s6, $0xb8;
	[tilespmem:$0x2000] =	vst v63  }
0x6a: {  	_ =	swait.ge [sflag:s7], $0x1000  }
0x6b: {  	[sflag:s7] =	ssyncset.done $0x0  }
0x6c: {  	s0 =	rddreg [dreg:$0xb];
	[sflag:s7] =	ssyncadd.s32 $0xFFFFF000  }
0x6d: {  	[hbm4b:s0+s2] =	stream.linear.scatter [tilespmem:s5], [sflag:$0x2], $0x1000, $0x38;
	[tilespmem:$0x2000] =	vst v63  }
0x6e: {  	_ =	swait.ge [sflag:s4], $0x1000  }
0x6f: {  	s0 =	sld [smem:$0x7FA]  }
0x70: {  	[sflag:s4] =	ssyncset.done $0x0  }
0x71: {  	[sflag:s4] =	ssyncadd.s32 $0xFFFFF000  }
0x72: {  	[tilespmem:s5], [sflag:$0x1] =	stream.indirect.gather [hbm4b:s3+s6], $0x20, s0, s6, $0xb8;
	[tilespmem:$0x2000] =	vst v63  }
0x73: {  	_ =	swait.ge [sflag:s7], $0x1000  }
0x74: {  	[sflag:s7] =	ssyncset.done $0x0  }
0x75: {  	s0 =	rddreg [dreg:$0xc];
	[sflag:s7] =	ssyncadd.s32 $0xFFFFF000  }
0x76: {  	[hbm4b:s0+s2] =	stream.linear.scatter [tilespmem:s5], [sflag:$0x2], $0x1000, $0x38;
	[tilespmem:$0x2000] =	vst v63  }
0x77: {  	_ =	swait.ge [sflag:s4], $0x1000  }
0x78: {  	s0 =	sld [smem:$0x7FB]  }
0x79: {  	[sflag:s4] =	ssyncset.done $0x0  }
0x7a: {  	[sflag:s4] =	ssyncadd.s32 $0xFFFFF000  }
0x7b: {  	[tilespmem:s5], [sflag:$0x1] =	stream.indirect.gather [hbm4b:s3+s6], $0x20, s0, s6, $0xb8;
	[tilespmem:$0x2000] =	vst v63  }
0x7c: {  	_ =	swait.ge [sflag:s7], $0x1000  }
0x7d: {  	[sflag:s7] =	ssyncset.done $0x0  }
0x7e: {  	s0 =	rddreg [dreg:$0xd];
	[sflag:s7] =	ssyncadd.s32 $0xFFFFF000  }
0x7f: {  	[hbm4b:s0+s2] =	stream.linear.scatter [tilespmem:s5], [sflag:$0x2], $0x1000, $0x38;
	[tilespmem:$0x2000] =	vst v63  }
0x80: {  	_ =	swait.ge [sflag:s4], $0x1000  }
0x81: {  	s0 =	sld [smem:$0x7FC]  }
0x82: {  	[sflag:s4] =	ssyncset.done $0x0  }
0x83: {  	[sflag:s4] =	ssyncadd.s32 $0xFFFFF000  }
0x84: {  	[tilespmem:s5], [sflag:$0x1] =	stream.indirect.gather [hbm4b:s3+s6], $0x20, s0, s6, $0xb8;
	[tilespmem:$0x2000] =	vst v63  }
0x85: {  	_ =	swait.ge [sflag:s7], $0x1000  }
0x86: {  	[sflag:s7] =	ssyncset.done $0x0  }
0x87: {  	s0 =	rddreg [dreg:$0xe];
	[sflag:s7] =	ssyncadd.s32 $0xFFFFF000  }
0x88: {  	[hbm4b:s0+s2] =	stream.linear.scatter [tilespmem:s5], [sflag:$0x2], $0x1000, $0x38;
	[tilespmem:$0x2000] =	vst v63  }
0x89: {  	_ =	swait.ge [sflag:s4], $0x1000  }
0x8a: {  	[sflag:s4] =	ssyncset.done $0x0  }
0x8b: {  	[sflag:s4] =	ssyncadd.s32 $0xFFFFF000  }
0x8c: {  	[tilespmem:s5], [sflag:$0x1] =	stream.indirect.gather [hbm4b:s3+s6], $0x20, s31, s6, $0xb8;
	[tilespmem:$0x2000] =	vst v63  }
0x8d: {  	_ =	swait.ge [sflag:s7], $0x1000  }
0x8e: {  	[sflag:s7] =	ssyncset.done $0x0  }
0x8f: {  	s0 =	rddreg [dreg:$0xf];
	[sflag:s7] =	ssyncadd.s32 $0xFFFFF000  }
0x90: {  	[hbm4b:s0+s2] =	stream.linear.scatter [tilespmem:s5], [sflag:$0x2], $0x1000, $0x38;
	[tilespmem:$0x2000] =	vst v63  }
0x91: {  	_ =	swait.ge [sflag:s4], $0x1000  }
0x92: {  	s0 =	sld [smem:$0x7FD]  }
0x93: {  	[sflag:s4] =	ssyncset.done $0x0  }
0x94: {  	[sflag:s4] =	ssyncadd.s32 $0xFFFFF000  }
0x95: {  	[tilespmem:s5], [sflag:$0x1] =	stream.indirect.gather [hbm4b:s3+s6], $0x20, s0, s6, $0xb8;
	[tilespmem:$0x2000] =	vst v63  }
0x96: {  	_ =	swait.ge [sflag:s7], $0x1000  }
0x97: {  	[sflag:s7] =	ssyncset.done $0x0  }
0x98: {  	s0 =	rddreg [dreg:$0x10];
	[sflag:s7] =	ssyncadd.s32 $0xFFFFF000  }
0x99: {  	[hbm4b:s0+s2] =	stream.linear.scatter [tilespmem:s5], [sflag:$0x2], $0x1000, $0x38;
	[tilespmem:$0x2000] =	vst v63  }
0x9a: {  	_ =	swait.ge [sflag:s4], $0x1000  }
0x9b: {  	[sflag:s4] =	ssyncset.done $0x0  }
0x9c: {  	[sflag:s4] =	ssyncadd.s32 $0xFFFFF000  }
0x9d: {  	[tilespmem:s5], [sflag:$0x1] =	stream.indirect.gather [hbm4b:s3+s6], $0x20, s30, s6, $0xb8;
	[tilespmem:$0x2000] =	vst v63  }
0x9e: {  	_ =	swait.ge [sflag:s7], $0x1000  }
0x9f: {  	[sflag:s7] =	ssyncset.done $0x0  }
0xa0: {  	s0 =	rddreg [dreg:$0x11];
	[sflag:s7] =	ssyncadd.s32 $0xFFFFF000  }
0xa1: {  	[hbm4b:s0+s2] =	stream.linear.scatter [tilespmem:s5], [sflag:$0x2], $0x1000, $0x38;
	[tilespmem:$0x2000] =	vst v63  }
0xa2: {  	_ =	swait.ge [sflag:s4], $0x1000  }
0xa3: {  	[sflag:s4] =	ssyncset.done $0x0  }
0xa4: {  	[sflag:s4] =	ssyncadd.s32 $0xFFFFF000  }
0xa5: {  	[tilespmem:s5], [sflag:$0x1] =	stream.indirect.gather [hbm4b:s3+s6], $0x20, s29, s6, $0xb8;
	[tilespmem:$0x2000] =	vst v63  }
0xa6: {  	_ =	swait.ge [sflag:s7], $0x1000  }
0xa7: {  	[sflag:s7] =	ssyncset.done $0x0  }
0xa8: {  	s0 =	rddreg [dreg:$0x12];
	[sflag:s7] =	ssyncadd.s32 $0xFFFFF000  }
0xa9: {  	[hbm4b:s0+s2] =	stream.linear.scatter [tilespmem:s5], [sflag:$0x2], $0x1000, $0x38;
	[tilespmem:$0x2000] =	vst v63  }
0xaa: {  	_ =	swait.ge [sflag:s4], $0x1000  }
0xab: {  	[sflag:s4] =	ssyncset.done $0x0  }
0xac: {  	[sflag:s4] =	ssyncadd.s32 $0xFFFFF000  }
0xad: {  	[tilespmem:s5], [sflag:$0x1] =	stream.indirect.gather [hbm4b:s3+s6], $0x20, s28, s6, $0xb8;
	[tilespmem:$0x2000] =	vst v63  }
0xae: {  	_ =	swait.ge [sflag:s7], $0x1000  }
0xaf: {  	[sflag:s7] =	ssyncset.done $0x0  }
0xb0: {  	s0 =	rddreg [dreg:$0x13];
	[sflag:s7] =	ssyncadd.s32 $0xFFFFF000  }
0xb1: {  	[hbm4b:s0+s2] =	stream.linear.scatter [tilespmem:s5], [sflag:$0x2], $0x1000, $0x38;
	[tilespmem:$0x2000] =	vst v63  }
0xb2: {  	_ =	swait.ge [sflag:s4], $0x1000  }
0xb3: {  	[sflag:s4] =	ssyncset.done $0x0  }
0xb4: {  	[sflag:s4] =	ssyncadd.s32 $0xFFFFF000  }
0xb5: {  	[tilespmem:s5], [sflag:$0x1] =	stream.indirect.gather [hbm4b:s3+s6], $0x20, s26, s6, $0xb8;
	[tilespmem:$0x2000] =	vst v63  }
0xb6: {  	_ =	swait.ge [sflag:s7], $0x1000  }
0xb7: {  	[sflag:s7] =	ssyncset.done $0x0  }
0xb8: {  	s0 =	rddreg [dreg:$0x14];
	[sflag:s7] =	ssyncadd.s32 $0xFFFFF000  }
0xb9: {  	[hbm4b:s0+s2] =	stream.linear.scatter [tilespmem:s5], [sflag:$0x2], $0x1000, $0x38;
	[tilespmem:$0x2000] =	vst v63  }
0xba: {  	_ =	swait.ge [sflag:s4], $0x1000  }
0xbb: {  	[sflag:s4] =	ssyncset.done $0x0  }
0xbc: {  	[sflag:s4] =	ssyncadd.s32 $0xFFFFF000  }
0xbd: {  	[tilespmem:s5], [sflag:$0x1] =	stream.indirect.gather [hbm4b:s3+s6], $0x20, s25, s6, $0xb8;
	[tilespmem:$0x2000] =	vst v63  }
0xbe: {  	_ =	swait.ge [sflag:s7], $0x1000  }
0xbf: {  	[sflag:s7] =	ssyncset.done $0x0  }
0xc0: {  	s0 =	rddreg [dreg:$0x15];
	[sflag:s7] =	ssyncadd.s32 $0xFFFFF000  }
0xc1: {  	[hbm4b:s0+s2] =	stream.linear.scatter [tilespmem:s5], [sflag:$0x2], $0x1000, $0x38;
	[tilespmem:$0x2000] =	vst v63  }
0xc2: {  	_ =	swait.ge [sflag:s4], $0x1000  }
0xc3: {  	[sflag:s4] =	ssyncset.done $0x0  }
0xc4: {  	[sflag:s4] =	ssyncadd.s32 $0xFFFFF000  }
0xc5: {  	[tilespmem:s5], [sflag:$0x1] =	stream.indirect.gather [hbm4b:s3+s6], $0x20, s24, s6, $0xb8;
	[tilespmem:$0x2000] =	vst v63  }
0xc6: {  	_ =	swait.ge [sflag:s7], $0x1000  }
0xc7: {  	[sflag:s7] =	ssyncset.done $0x0  }
0xc8: {  	s0 =	rddreg [dreg:$0x16];
	[sflag:s7] =	ssyncadd.s32 $0xFFFFF000  }
0xc9: {  	[hbm4b:s0+s2] =	stream.linear.scatter [tilespmem:s5], [sflag:$0x2], $0x1000, $0x38;
	[tilespmem:$0x2000] =	vst v63  }
0xca: {  	_ =	swait.ge [sflag:s4], $0x1000  }
0xcb: {  	[sflag:s4] =	ssyncset.done $0x0  }
0xcc: {  	[sflag:s4] =	ssyncadd.s32 $0xFFFFF000  }
0xcd: {  	[tilespmem:s5], [sflag:$0x1] =	stream.indirect.gather [hbm4b:s3+s6], $0x20, s21, s6, $0xb8;
	[tilespmem:$0x2000] =	vst v63  }
0xce: {  	_ =	swait.ge [sflag:s7], $0x1000  }
0xcf: {  	[sflag:s7] =	ssyncset.done $0x0  }
0xd0: {  	s0 =	rddreg [dreg:$0x17];
	[sflag:s7] =	ssyncadd.s32 $0xFFFFF000  }
0xd1: {  	[hbm4b:s0+s2] =	stream.linear.scatter [tilespmem:s5], [sflag:$0x2], $0x1000, $0x38;
	[tilespmem:$0x2000] =	vst v63  }
0xd2: {  	_ =	swait.ge [sflag:s4], $0x1000  }
0xd3: {  	[sflag:s4] =	ssyncset.done $0x0  }
0xd4: {  	[sflag:s4] =	ssyncadd.s32 $0xFFFFF000  }
0xd5: {  	[tilespmem:s5], [sflag:$0x1] =	stream.indirect.gather [hbm4b:s3+s6], $0x20, s23, s6, $0xb8;
	[tilespmem:$0x2000] =	vst v63  }
0xd6: {  	_ =	swait.ge [sflag:s7], $0x1000  }
0xd7: {  	[sflag:s7] =	ssyncset.done $0x0  }
0xd8: {  	s0 =	rddreg [dreg:$0x18];
	[sflag:s7] =	ssyncadd.s32 $0xFFFFF000  }
0xd9: {  	[hbm4b:s0+s2] =	stream.linear.scatter [tilespmem:s5], [sflag:$0x2], $0x1000, $0x38;
	[tilespmem:$0x2000] =	vst v63  }
0xda: {  	_ =	swait.ge [sflag:s4], $0x1000  }
0xdb: {  	[sflag:s4] =	ssyncset.done $0x0  }
0xdc: {  	[sflag:s4] =	ssyncadd.s32 $0xFFFFF000  }
0xdd: {  	[tilespmem:s5], [sflag:$0x1] =	stream.indirect.gather [hbm4b:s3+s6], $0x20, s22, s6, $0xb8;
	[tilespmem:$0x2000] =	vst v63  }
0xde: {  	_ =	swait.ge [sflag:s7], $0x1000  }
0xdf: {  	[sflag:s7] =	ssyncset.done $0x0  }
0xe0: {  	s0 =	rddreg [dreg:$0x19];
	[sflag:s7] =	ssyncadd.s32 $0xFFFFF000  }
0xe1: {  	[hbm4b:s0+s2] =	stream.linear.scatter [tilespmem:s5], [sflag:$0x2], $0x1000, $0x38;
	[tilespmem:$0x2000] =	vst v63  }
0xe2: {  	_ =	swait.ge [sflag:s4], $0x1000  }
0xe3: {  	[sflag:s4] =	ssyncset.done $0x0  }
0xe4: {  	[sflag:s4] =	ssyncadd.s32 $0xFFFFF000  }
0xe5: {  	[tilespmem:s5], [sflag:$0x1] =	stream.indirect.gather [hbm4b:s3+s6], $0x20, s20, s6, $0xb8;
	[tilespmem:$0x2000] =	vst v63  }
0xe6: {  	_ =	swait.ge [sflag:s7], $0x1000  }
0xe7: {  	[sflag:s7] =	ssyncset.done $0x0  }
0xe8: {  	s0 =	rddreg [dreg:$0x1a];
	[sflag:s7] =	ssyncadd.s32 $0xFFFFF000  }
0xe9: {  	[hbm4b:s0+s2] =	stream.linear.scatter [tilespmem:s5], [sflag:$0x2], $0x1000, $0x38;
	[tilespmem:$0x2000] =	vst v63  }
0xea: {  	_ =	swait.ge [sflag:s4], $0x1000  }
0xeb: {  	[sflag:s4] =	ssyncset.done $0x0  }
0xec: {  	[sflag:s4] =	ssyncadd.s32 $0xFFFFF000  }
0xed: {  	[tilespmem:s5], [sflag:$0x1] =	stream.indirect.gather [hbm4b:s3+s6], $0x20, s19, s6, $0xb8;
	[tilespmem:$0x2000] =	vst v63  }
0xee: {  	_ =	swait.ge [sflag:s7], $0x1000  }
0xef: {  	[sflag:s7] =	ssyncset.done $0x0  }
0xf0: {  	s0 =	rddreg [dreg:$0x1b];
	[sflag:s7] =	ssyncadd.s32 $0xFFFFF000  }
0xf1: {  	[hbm4b:s0+s2] =	stream.linear.scatter [tilespmem:s5], [sflag:$0x2], $0x1000, $0x38;
	[tilespmem:$0x2000] =	vst v63  }
0xf2: {  	_ =	swait.ge [sflag:s4], $0x1000  }
0xf3: {  	[sflag:s4] =	ssyncset.done $0x0  }
0xf4: {  	[sflag:s4] =	ssyncadd.s32 $0xFFFFF000  }
0xf5: {  	[tilespmem:s5], [sflag:$0x1] =	stream.indirect.gather [hbm4b:s3+s6], $0x20, s18, s6, $0xb8;
	[tilespmem:$0x2000] =	vst v63  }
0xf6: {  	_ =	swait.ge [sflag:s7], $0x1000  }
0xf7: {  	[sflag:s7] =	ssyncset.done $0x0  }
0xf8: {  	s0 =	rddreg [dreg:$0x1c];
	[sflag:s7] =	ssyncadd.s32 $0xFFFFF000  }
0xf9: {  	[hbm4b:s0+s2] =	stream.linear.scatter [tilespmem:s5], [sflag:$0x2], $0x1000, $0x38;
	[tilespmem:$0x2000] =	vst v63  }
0xfa: {  	_ =	swait.ge [sflag:s4], $0x1000  }
0xfb: {  	[sflag:s4] =	ssyncset.done $0x0  }
0xfc: {  	[sflag:s4] =	ssyncadd.s32 $0xFFFFF000  }
0xfd: {  	[tilespmem:s5], [sflag:$0x1] =	stream.indirect.gather [hbm4b:s3+s6], $0x20, s17, s6, $0xb8;
	[tilespmem:$0x2000] =	vst v63  }
0xfe: {  	_ =	swait.ge [sflag:s7], $0x1000  }
0xff: {  	[sflag:s7] =	ssyncset.done $0x0  }
0x100: {  	s0 =	rddreg [dreg:$0x1d];
	[sflag:s7] =	ssyncadd.s32 $0xFFFFF000  }
0x101: {  	[hbm4b:s0+s2] =	stream.linear.scatter [tilespmem:s5], [sflag:$0x2], $0x1000, $0x38;
	[tilespmem:$0x2000] =	vst v63  }
0x102: {  	_ =	swait.ge [sflag:s4], $0x1000  }
0x103: {  	[sflag:s4] =	ssyncset.done $0x0  }
0x104: {  	[sflag:s4] =	ssyncadd.s32 $0xFFFFF000  }
0x105: {  	[tilespmem:s5], [sflag:$0x1] =	stream.indirect.gather [hbm4b:s3+s6], $0x20, s16, s6, $0xb8;
	[tilespmem:$0x2000] =	vst v63  }
0x106: {  	_ =	swait.ge [sflag:s7], $0x1000  }
0x107: {  	[sflag:s7] =	ssyncset.done $0x0  }
0x108: {  	s0 =	rddreg [dreg:$0x1e];
	[sflag:s7] =	ssyncadd.s32 $0xFFFFF000  }
0x109: {  	[hbm4b:s0+s2] =	stream.linear.scatter [tilespmem:s5], [sflag:$0x2], $0x1000, $0x38;
	[tilespmem:$0x2000] =	vst v63  }
0x10a: {  	_ =	swait.ge [sflag:s4], $0x1000  }
0x10b: {  	[sflag:s4] =	ssyncset.done $0x0  }
0x10c: {  	[sflag:s4] =	ssyncadd.s32 $0xFFFFF000  }
0x10d: {  	[tilespmem:s5], [sflag:$0x1] =	stream.indirect.gather [hbm4b:s3+s6], $0x20, s12, s6, $0xb8;
	[tilespmem:$0x2000] =	vst v63  }
0x10e: {  	_ =	swait.ge [sflag:s7], $0x1000  }
0x10f: {  	[sflag:s7] =	ssyncset.done $0x0  }
0x110: {  	s0 =	rddreg [dreg:$0x1f];
	[sflag:s7] =	ssyncadd.s32 $0xFFFFF000  }
0x111: {  	[hbm4b:s0+s2] =	stream.linear.scatter [tilespmem:s5], [sflag:$0x2], $0x1000, $0x38;
	[tilespmem:$0x2000] =	vst v63  }
0x112: {  	_ =	swait.ge [sflag:s4], $0x1000  }
0x113: {  	[sflag:s4] =	ssyncset.done $0x0  }
0x114: {  	[sflag:s4] =	ssyncadd.s32 $0xFFFFF000  }
0x115: {  	[tilespmem:s5], [sflag:$0x1] =	stream.indirect.gather [hbm4b:s3+s6], $0x20, s15, s6, $0xb8;
	[tilespmem:$0x2000] =	vst v63  }
0x116: {  	_ =	swait.ge [sflag:s7], $0x1000  }
0x117: {  	s0 =	sld [smem:$0x7F0]  }
0x118: {  	[sflag:s7] =	ssyncset.done $0x0  }
0x119: {  	[sflag:s7] =	ssyncadd.s32 $0xFFFFF000  }
0x11a: {  	[hbm4b:s0+s2] =	stream.linear.scatter [tilespmem:s5], [sflag:$0x2], $0x1000, $0x38;
	[tilespmem:$0x2000] =	vst v63  }
0x11b: {  	_ =	swait.ge [sflag:s4], $0x1000  }
0x11c: {  	[sflag:s4] =	ssyncset.done $0x0  }
0x11d: {  	[sflag:s4] =	ssyncadd.s32 $0xFFFFF000  }
0x11e: {  	[tilespmem:s5], [sflag:$0x1] =	stream.indirect.gather [hbm4b:s3+s6], $0x20, s14, s6, $0xb8;
	[tilespmem:$0x2000] =	vst v63  }
0x11f: {  	_ =	swait.ge [sflag:s7], $0x1000  }
0x120: {  	s0 =	sld [smem:$0x7F1]  }
0x121: {  	[sflag:s7] =	ssyncset.done $0x0  }
0x122: {  	[sflag:s7] =	ssyncadd.s32 $0xFFFFF000  }
0x123: {  	[hbm4b:s0+s2] =	stream.linear.scatter [tilespmem:s5], [sflag:$0x2], $0x1000, $0x38;
	[tilespmem:$0x2000] =	vst v63  }
0x124: {  	_ =	swait.ge [sflag:s4], $0x1000  }
0x125: {  	[sflag:s4] =	ssyncset.done $0x0  }
0x126: {  	[sflag:s4] =	ssyncadd.s32 $0xFFFFF000  }
0x127: {  	[tilespmem:s5], [sflag:$0x1] =	stream.indirect.gather [hbm4b:s3+s6], $0x20, s13, s6, $0xb8;
	[tilespmem:$0x2000] =	vst v63  }
0x128: {  	_ =	swait.ge [sflag:s7], $0x1000  }
0x129: {  	s0 =	sld [smem:$0x7F2]  }
0x12a: {  	[sflag:s7] =	ssyncset.done $0x0  }
0x12b: {  	[sflag:s7] =	ssyncadd.s32 $0xFFFFF000  }
0x12c: {  	[hbm4b:s0+s2] =	stream.linear.scatter [tilespmem:s5], [sflag:$0x2], $0x1000, $0x38;
	[tilespmem:$0x2000] =	vst v63  }
0x12d: {  	_ =	swait.ge [sflag:s4], $0x1000  }
0x12e: {  	[sflag:s4] =	ssyncset.done $0x0  }
0x12f: {  	[sflag:s4] =	ssyncadd.s32 $0xFFFFF000  }
0x130: {  	[tilespmem:s5], [sflag:$0x1] =	stream.indirect.gather [hbm4b:s3+s6], $0x20, s11, s6, $0xb8;
	[tilespmem:$0x2000] =	vst v63  }
0x131: {  	_ =	swait.ge [sflag:s7], $0x1000  }
0x132: {  	s0 =	sld [smem:$0x7F3]  }
0x133: {  	[sflag:s7] =	ssyncset.done $0x0  }
0x134: {  	[sflag:s7] =	ssyncadd.s32 $0xFFFFF000  }
0x135: {  	[hbm4b:s0+s2] =	stream.linear.scatter [tilespmem:s5], [sflag:$0x2], $0x1000, $0x38;
	[tilespmem:$0x2000] =	vst v63  }
0x136: {  	_ =	swait.ge [sflag:s4], $0x1000  }
0x137: {  	[sflag:s4] =	ssyncset.done $0x0  }
0x138: {  	[sflag:s4] =	ssyncadd.s32 $0xFFFFF000  }
0x139: {  	[tilespmem:s5], [sflag:$0x1] =	stream.indirect.gather [hbm4b:s3+s6], $0x20, s10, s6, $0xb8;
	[tilespmem:$0x2000] =	vst v63  }
0x13a: {  	_ =	swait.ge [sflag:s7], $0x1000  }
0x13b: {  	s0 =	sld [smem:$0x7F4]  }
0x13c: {  	[sflag:s7] =	ssyncset.done $0x0  }
0x13d: {  	[sflag:s7] =	ssyncadd.s32 $0xFFFFF000  }
0x13e: {  	[hbm4b:s0+s2] =	stream.linear.scatter [tilespmem:s5], [sflag:$0x2], $0x1000, $0x38;
	[tilespmem:$0x2000] =	vst v63  }
0x13f: {  	_ =	swait.ge [sflag:s4], $0x1000  }
0x140: {  	[sflag:s4] =	ssyncset.done $0x0  }
0x141: {  	[sflag:s4] =	ssyncadd.s32 $0xFFFFF000  }
0x142: {  	[tilespmem:s5], [sflag:$0x1] =	stream.indirect.gather [hbm4b:s3+s6], $0x20, s9, s6, $0xb8;
	[tilespmem:$0x2000] =	vst v63  }
0x143: {  	_ =	swait.ge [sflag:s7], $0x1000  }
0x144: {  	s0 =	sld [smem:$0x7F5]  }
0x145: {  	[sflag:s7] =	ssyncset.done $0x0  }
0x146: {  	[sflag:s7] =	ssyncadd.s32 $0xFFFFF000  }
0x147: {  	[hbm4b:s0+s2] =	stream.linear.scatter [tilespmem:s5], [sflag:$0x2], $0x1000, $0x38;
	[tilespmem:$0x2000] =	vst v63  }
0x148: {  	_ =	swait.ge [sflag:s4], $0x1000  }
0x149: {  	[sflag:s4] =	ssyncset.done $0x0  }
0x14a: {  	[sflag:s4] =	ssyncadd.s32 $0xFFFFF000  }
0x14b: {  	[tilespmem:s5], [sflag:$0x1] =	stream.indirect.gather [hbm4b:s3+s6], $0x20, s8, s6, $0xb8;
	[tilespmem:$0x2000] =	vst v63  }
0x14c: {  	_ =	swait.ge [sflag:s7], $0x1000  }
0x14d: {  	p1 =	sne.s32 s1, $0x1;
	s0 =	sld [smem:$0x7F6]  }
.Ltmp1:
0x14e: {  	[sflag:s7] =	ssyncset.done $0x0;
	(pc) =	sbr.rel @!p1 .LBB2_3-.Ltmp1, $4  }
0x14f: {  	[sflag:s7] =	ssyncadd.s32 $0xFFFFF000  }
0x150: {  	[hbm4b:s0+s2] =	stream.linear.scatter [tilespmem:s5], [sflag:$0x2], $0x1000, $0x38;
	[tilespmem:$0x2000] =	vst v63  }
0x151: {  	s1 =	sadd.s32 $0xFFFFFFFF, s1;
	_ =	swait.ge [sflag:s4], $0x1000  }
0x152: {  	p0 =	por $0x1, $0x1;
	s0 =	rddreg [dreg:$0x3];
	[sflag:s4] =	ssyncset.done $0x0  }
.LBB2_2:
0x153: {  	[sflag:s4] =	ssyncadd.s32 $0xFFFFF000  }
0x154: {  	[tilespmem:s2], [sflag:$0x2] =	stream.linear.gather [hbm4b:s0+s2], $0x400, $0x38;
	[tilespmem:$0x2000] =	vst v63  }
0x155: {  	_ =	swait.ge [sflag:s4], $0x400  }
0x156: {  	[sflag:s4] =	ssyncset.done $0x0  }
0x157: {  	s0 =	rddreg [dreg:$0x4];
	[sflag:s4] =	ssyncadd.s32 $0xFFFFFC00  }
0x158: {  	[tilespmem:s31], [sflag:$0x2] =	stream.linear.gather [hbm4b:s0+s2], $0x400, $0x38;
	[tilespmem:$0x2000] =	vst v63  }
0x159: {  	_ =	swait.ge [sflag:s4], $0x400  }
0x15a: {  	[sflag:s4] =	ssyncset.done $0x0  }
0x15b: {  	s0 =	rddreg [dreg:$0x5];
	[sflag:s4] =	ssyncadd.s32 $0xFFFFFC00  }
0x15c: {  	[tilespmem:s21], [sflag:$0x2] =	stream.linear.gather [hbm4b:s0+s2], $0x400, $0x38;
	[tilespmem:$0x2000] =	vst v63  }
0x15d: {  	_ =	swait.ge [sflag:s4], $0x400  }
0x15e: {  	[sflag:s4] =	ssyncset.done $0x0  }
0x15f: {  	s0 =	rddreg [dreg:$0x6];
	[sflag:s4] =	ssyncadd.s32 $0xFFFFFC00  }
0x160: {  	[tilespmem:s12], [sflag:$0x2] =	stream.linear.gather [hbm4b:s0+s2], $0x400, $0x38;
	[tilespmem:$0x2000] =	vst v63  }
0x161: {  	_ =	swait.ge [sflag:s4], $0x400  }
0x162: {  	[sflag:s4] =	ssyncset.done $0x0  }
0x163: {  	[sflag:s4] =	ssyncadd.s32 $0xFFFFFC00  }
0x164: {  	[tilespmem:s5], [sflag:$0x1] =	stream.indirect.gather [hbm4b:s3+s6], $0x20, s2, s6, $0xb8;
	[tilespmem:$0x2000] =	vst v63  }
0x165: {  	_ =	swait.ge [sflag:s7], $0x1000  }
0x166: {  	[sflag:s7] =	ssyncset.done $0x0  }
0x167: {  	s0 =	rddreg [dreg:$0x7];
	[sflag:s7] =	ssyncadd.s32 $0xFFFFF000  }
0x168: {  	[hbm4b:s0+s2] =	stream.linear.scatter [tilespmem:s5], [sflag:$0x2], $0x1000, $0x38;
	[tilespmem:$0x2000] =	vst v63  }
0x169: {  	_ =	swait.ge [sflag:s4], $0x1000  }
0x16a: {  	[sflag:s4] =	ssyncset.done $0x0  }
0x16b: {  	[sflag:s4] =	ssyncadd.s32 $0xFFFFF000  }
0x16c: {  	[tilespmem:s5], [sflag:$0x1] =	stream.indirect.gather [hbm4b:s3+s6], $0x20, s6, s6, $0xb8;
	[tilespmem:$0x2000] =	vst v63  }
0x16d: {  	_ =	swait.ge [sflag:s7], $0x1000  }
0x16e: {  	[sflag:s7] =	ssyncset.done $0x0  }
0x16f: {  	s0 =	rddreg [dreg:$0x8];
	[sflag:s7] =	ssyncadd.s32 $0xFFFFF000  }
0x170: {  	[hbm4b:s0+s2] =	stream.linear.scatter [tilespmem:s5], [sflag:$0x2], $0x1000, $0x38;
	[tilespmem:$0x2000] =	vst v63  }
0x171: {  	_ =	swait.ge [sflag:s4], $0x1000  }
0x172: {  	s0 =	sld [smem:$0x7F7]  }
0x173: {  	[sflag:s4] =	ssyncset.done $0x0  }
0x174: {  	[sflag:s4] =	ssyncadd.s32 $0xFFFFF000  }
0x175: {  	[tilespmem:s5], [sflag:$0x1] =	stream.indirect.gather [hbm4b:s3+s6], $0x20, s0, s6, $0xb8;
	[tilespmem:$0x2000] =	vst v63  }
0x176: {  	_ =	swait.ge [sflag:s7], $0x1000  }
0x177: {  	[sflag:s7] =	ssyncset.done $0x0  }
0x178: {  	s0 =	rddreg [dreg:$0x9];
	[sflag:s7] =	ssyncadd.s32 $0xFFFFF000  }
0x179: {  	[hbm4b:s0+s2] =	stream.linear.scatter [tilespmem:s5], [sflag:$0x2], $0x1000, $0x38;
	[tilespmem:$0x2000] =	vst v63  }
0x17a: {  	_ =	swait.ge [sflag:s4], $0x1000  }
0x17b: {  	s0 =	sld [smem:$0x7F8]  }
0x17c: {  	[sflag:s4] =	ssyncset.done $0x0  }
0x17d: {  	[sflag:s4] =	ssyncadd.s32 $0xFFFFF000  }
0x17e: {  	[tilespmem:s5], [sflag:$0x1] =	stream.indirect.gather [hbm4b:s3+s6], $0x20, s0, s6, $0xb8;
	[tilespmem:$0x2000] =	vst v63  }
0x17f: {  	_ =	swait.ge [sflag:s7], $0x1000  }
0x180: {  	[sflag:s7] =	ssyncset.done $0x0  }
0x181: {  	s0 =	rddreg [dreg:$0xa];
	[sflag:s7] =	ssyncadd.s32 $0xFFFFF000  }
0x182: {  	[hbm4b:s0+s2] =	stream.linear.scatter [tilespmem:s5], [sflag:$0x2], $0x1000, $0x38;
	[tilespmem:$0x2000] =	vst v63  }
0x183: {  	_ =	swait.ge [sflag:s4], $0x1000  }
0x184: {  	s0 =	sld [smem:$0x7F9]  }
0x185: {  	[sflag:s4] =	ssyncset.done $0x0  }
0x186: {  	[sflag:s4] =	ssyncadd.s32 $0xFFFFF000  }
0x187: {  	[tilespmem:s5], [sflag:$0x1] =	stream.indirect.gather [hbm4b:s3+s6], $0x20, s0, s6, $0xb8;
	[tilespmem:$0x2000] =	vst v63  }
0x188: {  	_ =	swait.ge [sflag:s7], $0x1000  }
0x189: {  	[sflag:s7] =	ssyncset.done $0x0  }
0x18a: {  	s0 =	rddreg [dreg:$0xb];
	[sflag:s7] =	ssyncadd.s32 $0xFFFFF000  }
0x18b: {  	[hbm4b:s0+s2] =	stream.linear.scatter [tilespmem:s5], [sflag:$0x2], $0x1000, $0x38;
	[tilespmem:$0x2000] =	vst v63  }
0x18c: {  	_ =	swait.ge [sflag:s4], $0x1000  }
0x18d: {  	s0 =	sld [smem:$0x7FA]  }
0x18e: {  	[sflag:s4] =	ssyncset.done $0x0  }
0x18f: {  	[sflag:s4] =	ssyncadd.s32 $0xFFFFF000  }
0x190: {  	[tilespmem:s5], [sflag:$0x1] =	stream.indirect.gather [hbm4b:s3+s6], $0x20, s0, s6, $0xb8;
	[tilespmem:$0x2000] =	vst v63  }
0x191: {  	_ =	swait.ge [sflag:s7], $0x1000  }
0x192: {  	[sflag:s7] =	ssyncset.done $0x0  }
0x193: {  	s0 =	rddreg [dreg:$0xc];
	[sflag:s7] =	ssyncadd.s32 $0xFFFFF000  }
0x194: {  	[hbm4b:s0+s2] =	stream.linear.scatter [tilespmem:s5], [sflag:$0x2], $0x1000, $0x38;
	[tilespmem:$0x2000] =	vst v63  }
0x195: {  	_ =	swait.ge [sflag:s4], $0x1000  }
0x196: {  	s0 =	sld [smem:$0x7FB]  }
0x197: {  	[sflag:s4] =	ssyncset.done $0x0  }
0x198: {  	[sflag:s4] =	ssyncadd.s32 $0xFFFFF000  }
0x199: {  	[tilespmem:s5], [sflag:$0x1] =	stream.indirect.gather [hbm4b:s3+s6], $0x20, s0, s6, $0xb8;
	[tilespmem:$0x2000] =	vst v63  }
0x19a: {  	_ =	swait.ge [sflag:s7], $0x1000  }
0x19b: {  	[sflag:s7] =	ssyncset.done $0x0  }
0x19c: {  	s0 =	rddreg [dreg:$0xd];
	[sflag:s7] =	ssyncadd.s32 $0xFFFFF000  }
0x19d: {  	[hbm4b:s0+s2] =	stream.linear.scatter [tilespmem:s5], [sflag:$0x2], $0x1000, $0x38;
	[tilespmem:$0x2000] =	vst v63  }
0x19e: {  	_ =	swait.ge [sflag:s4], $0x1000  }
0x19f: {  	s0 =	sld [smem:$0x7FC]  }
0x1a0: {  	[sflag:s4] =	ssyncset.done $0x0  }
0x1a1: {  	[sflag:s4] =	ssyncadd.s32 $0xFFFFF000  }
0x1a2: {  	[tilespmem:s5], [sflag:$0x1] =	stream.indirect.gather [hbm4b:s3+s6], $0x20, s0, s6, $0xb8;
	[tilespmem:$0x2000] =	vst v63  }
0x1a3: {  	_ =	swait.ge [sflag:s7], $0x1000  }
0x1a4: {  	[sflag:s7] =	ssyncset.done $0x0  }
0x1a5: {  	s0 =	rddreg [dreg:$0xe];
	[sflag:s7] =	ssyncadd.s32 $0xFFFFF000  }
0x1a6: {  	[hbm4b:s0+s2] =	stream.linear.scatter [tilespmem:s5], [sflag:$0x2], $0x1000, $0x38;
	[tilespmem:$0x2000] =	vst v63  }
0x1a7: {  	_ =	swait.ge [sflag:s4], $0x1000  }
0x1a8: {  	[sflag:s4] =	ssyncset.done $0x0  }
0x1a9: {  	[sflag:s4] =	ssyncadd.s32 $0xFFFFF000  }
0x1aa: {  	[tilespmem:s5], [sflag:$0x1] =	stream.indirect.gather [hbm4b:s3+s6], $0x20, s31, s6, $0xb8;
	[tilespmem:$0x2000] =	vst v63  }
0x1ab: {  	_ =	swait.ge [sflag:s7], $0x1000  }
0x1ac: {  	[sflag:s7] =	ssyncset.done $0x0  }
0x1ad: {  	s0 =	rddreg [dreg:$0xf];
	[sflag:s7] =	ssyncadd.s32 $0xFFFFF000  }
0x1ae: {  	[hbm4b:s0+s2] =	stream.linear.scatter [tilespmem:s5], [sflag:$0x2], $0x1000, $0x38;
	[tilespmem:$0x2000] =	vst v63  }
0x1af: {  	_ =	swait.ge [sflag:s4], $0x1000  }
0x1b0: {  	s0 =	sld [smem:$0x7FD]  }
0x1b1: {  	[sflag:s4] =	ssyncset.done $0x0  }
0x1b2: {  	[sflag:s4] =	ssyncadd.s32 $0xFFFFF000  }
0x1b3: {  	[tilespmem:s5], [sflag:$0x1] =	stream.indirect.gather [hbm4b:s3+s6], $0x20, s0, s6, $0xb8;
	[tilespmem:$0x2000] =	vst v63  }
0x1b4: {  	_ =	swait.ge [sflag:s7], $0x1000  }
0x1b5: {  	[sflag:s7] =	ssyncset.done $0x0  }
0x1b6: {  	s0 =	rddreg [dreg:$0x10];
	[sflag:s7] =	ssyncadd.s32 $0xFFFFF000  }
0x1b7: {  	[hbm4b:s0+s2] =	stream.linear.scatter [tilespmem:s5], [sflag:$0x2], $0x1000, $0x38;
	[tilespmem:$0x2000] =	vst v63  }
0x1b8: {  	_ =	swait.ge [sflag:s4], $0x1000  }
0x1b9: {  	[sflag:s4] =	ssyncset.done $0x0  }
0x1ba: {  	[sflag:s4] =	ssyncadd.s32 $0xFFFFF000  }
0x1bb: {  	[tilespmem:s5], [sflag:$0x1] =	stream.indirect.gather [hbm4b:s3+s6], $0x20, s30, s6, $0xb8;
	[tilespmem:$0x2000] =	vst v63  }
0x1bc: {  	_ =	swait.ge [sflag:s7], $0x1000  }
0x1bd: {  	[sflag:s7] =	ssyncset.done $0x0  }
0x1be: {  	s0 =	rddreg [dreg:$0x11];
	[sflag:s7] =	ssyncadd.s32 $0xFFFFF000  }
0x1bf: {  	[hbm4b:s0+s2] =	stream.linear.scatter [tilespmem:s5], [sflag:$0x2], $0x1000, $0x38;
	[tilespmem:$0x2000] =	vst v63  }
0x1c0: {  	_ =	swait.ge [sflag:s4], $0x1000  }
0x1c1: {  	[sflag:s4] =	ssyncset.done $0x0  }
0x1c2: {  	[sflag:s4] =	ssyncadd.s32 $0xFFFFF000  }
0x1c3: {  	[tilespmem:s5], [sflag:$0x1] =	stream.indirect.gather [hbm4b:s3+s6], $0x20, s29, s6, $0xb8;
	[tilespmem:$0x2000] =	vst v63  }
0x1c4: {  	_ =	swait.ge [sflag:s7], $0x1000  }
0x1c5: {  	[sflag:s7] =	ssyncset.done $0x0  }
0x1c6: {  	s0 =	rddreg [dreg:$0x12];
	[sflag:s7] =	ssyncadd.s32 $0xFFFFF000  }
0x1c7: {  	[hbm4b:s0+s2] =	stream.linear.scatter [tilespmem:s5], [sflag:$0x2], $0x1000, $0x38;
	[tilespmem:$0x2000] =	vst v63  }
0x1c8: {  	_ =	swait.ge [sflag:s4], $0x1000  }
0x1c9: {  	[sflag:s4] =	ssyncset.done $0x0  }
0x1ca: {  	[sflag:s4] =	ssyncadd.s32 $0xFFFFF000  }
0x1cb: {  	[tilespmem:s5], [sflag:$0x1] =	stream.indirect.gather [hbm4b:s3+s6], $0x20, s28, s6, $0xb8;
	[tilespmem:$0x2000] =	vst v63  }
0x1cc: {  	_ =	swait.ge [sflag:s7], $0x1000  }
0x1cd: {  	[sflag:s7] =	ssyncset.done $0x0  }
0x1ce: {  	s0 =	rddreg [dreg:$0x13];
	[sflag:s7] =	ssyncadd.s32 $0xFFFFF000  }
0x1cf: {  	[hbm4b:s0+s2] =	stream.linear.scatter [tilespmem:s5], [sflag:$0x2], $0x1000, $0x38;
	[tilespmem:$0x2000] =	vst v63  }
0x1d0: {  	_ =	swait.ge [sflag:s4], $0x1000  }
0x1d1: {  	[sflag:s4] =	ssyncset.done $0x0  }
0x1d2: {  	[sflag:s4] =	ssyncadd.s32 $0xFFFFF000  }
0x1d3: {  	[tilespmem:s5], [sflag:$0x1] =	stream.indirect.gather [hbm4b:s3+s6], $0x20, s26, s6, $0xb8;
	[tilespmem:$0x2000] =	vst v63  }
0x1d4: {  	_ =	swait.ge [sflag:s7], $0x1000  }
0x1d5: {  	[sflag:s7] =	ssyncset.done $0x0  }
0x1d6: {  	s0 =	rddreg [dreg:$0x14];
	[sflag:s7] =	ssyncadd.s32 $0xFFFFF000  }
0x1d7: {  	[hbm4b:s0+s2] =	stream.linear.scatter [tilespmem:s5], [sflag:$0x2], $0x1000, $0x38;
	[tilespmem:$0x2000] =	vst v63  }
0x1d8: {  	_ =	swait.ge [sflag:s4], $0x1000  }
0x1d9: {  	[sflag:s4] =	ssyncset.done $0x0  }
0x1da: {  	[sflag:s4] =	ssyncadd.s32 $0xFFFFF000  }
0x1db: {  	[tilespmem:s5], [sflag:$0x1] =	stream.indirect.gather [hbm4b:s3+s6], $0x20, s25, s6, $0xb8;
	[tilespmem:$0x2000] =	vst v63  }
0x1dc: {  	_ =	swait.ge [sflag:s7], $0x1000  }
0x1dd: {  	[sflag:s7] =	ssyncset.done $0x0  }
0x1de: {  	s0 =	rddreg [dreg:$0x15];
	[sflag:s7] =	ssyncadd.s32 $0xFFFFF000  }
0x1df: {  	[hbm4b:s0+s2] =	stream.linear.scatter [tilespmem:s5], [sflag:$0x2], $0x1000, $0x38;
	[tilespmem:$0x2000] =	vst v63  }
0x1e0: {  	_ =	swait.ge [sflag:s4], $0x1000  }
0x1e1: {  	[sflag:s4] =	ssyncset.done $0x0  }
0x1e2: {  	[sflag:s4] =	ssyncadd.s32 $0xFFFFF000  }
0x1e3: {  	[tilespmem:s5], [sflag:$0x1] =	stream.indirect.gather [hbm4b:s3+s6], $0x20, s24, s6, $0xb8;
	[tilespmem:$0x2000] =	vst v63  }
0x1e4: {  	_ =	swait.ge [sflag:s7], $0x1000  }
0x1e5: {  	[sflag:s7] =	ssyncset.done $0x0  }
0x1e6: {  	s0 =	rddreg [dreg:$0x16];
	[sflag:s7] =	ssyncadd.s32 $0xFFFFF000  }
0x1e7: {  	[hbm4b:s0+s2] =	stream.linear.scatter [tilespmem:s5], [sflag:$0x2], $0x1000, $0x38;
	[tilespmem:$0x2000] =	vst v63  }
0x1e8: {  	_ =	swait.ge [sflag:s4], $0x1000  }
0x1e9: {  	[sflag:s4] =	ssyncset.done $0x0  }
0x1ea: {  	[sflag:s4] =	ssyncadd.s32 $0xFFFFF000  }
0x1eb: {  	[tilespmem:s5], [sflag:$0x1] =	stream.indirect.gather [hbm4b:s3+s6], $0x20, s21, s6, $0xb8;
	[tilespmem:$0x2000] =	vst v63  }
0x1ec: {  	_ =	swait.ge [sflag:s7], $0x1000  }
0x1ed: {  	[sflag:s7] =	ssyncset.done $0x0  }
0x1ee: {  	s0 =	rddreg [dreg:$0x17];
	[sflag:s7] =	ssyncadd.s32 $0xFFFFF000  }
0x1ef: {  	[hbm4b:s0+s2] =	stream.linear.scatter [tilespmem:s5], [sflag:$0x2], $0x1000, $0x38;
	[tilespmem:$0x2000] =	vst v63  }
0x1f0: {  	_ =	swait.ge [sflag:s4], $0x1000  }
0x1f1: {  	[sflag:s4] =	ssyncset.done $0x0  }
0x1f2: {  	[sflag:s4] =	ssyncadd.s32 $0xFFFFF000  }
0x1f3: {  	[tilespmem:s5], [sflag:$0x1] =	stream.indirect.gather [hbm4b:s3+s6], $0x20, s23, s6, $0xb8;
	[tilespmem:$0x2000] =	vst v63  }
0x1f4: {  	_ =	swait.ge [sflag:s7], $0x1000  }
0x1f5: {  	[sflag:s7] =	ssyncset.done $0x0  }
0x1f6: {  	s0 =	rddreg [dreg:$0x18];
	[sflag:s7] =	ssyncadd.s32 $0xFFFFF000  }
0x1f7: {  	[hbm4b:s0+s2] =	stream.linear.scatter [tilespmem:s5], [sflag:$0x2], $0x1000, $0x38;
	[tilespmem:$0x2000] =	vst v63  }
0x1f8: {  	_ =	swait.ge [sflag:s4], $0x1000  }
0x1f9: {  	[sflag:s4] =	ssyncset.done $0x0  }
0x1fa: {  	[sflag:s4] =	ssyncadd.s32 $0xFFFFF000  }
0x1fb: {  	[tilespmem:s5], [sflag:$0x1] =	stream.indirect.gather [hbm4b:s3+s6], $0x20, s22, s6, $0xb8;
	[tilespmem:$0x2000] =	vst v63  }
0x1fc: {  	_ =	swait.ge [sflag:s7], $0x1000  }
0x1fd: {  	[sflag:s7] =	ssyncset.done $0x0  }
0x1fe: {  	s0 =	rddreg [dreg:$0x19];
	[sflag:s7] =	ssyncadd.s32 $0xFFFFF000  }
0x1ff: {  	[hbm4b:s0+s2] =	stream.linear.scatter [tilespmem:s5], [sflag:$0x2], $0x1000, $0x38;
	[tilespmem:$0x2000] =	vst v63  }
0x200: {  	_ =	swait.ge [sflag:s4], $0x1000  }
0x201: {  	[sflag:s4] =	ssyncset.done $0x0  }
0x202: {  	[sflag:s4] =	ssyncadd.s32 $0xFFFFF000  }
0x203: {  	[tilespmem:s5], [sflag:$0x1] =	stream.indirect.gather [hbm4b:s3+s6], $0x20, s20, s6, $0xb8;
	[tilespmem:$0x2000] =	vst v63  }
0x204: {  	_ =	swait.ge [sflag:s7], $0x1000  }
0x205: {  	[sflag:s7] =	ssyncset.done $0x0  }
0x206: {  	s0 =	rddreg [dreg:$0x1a];
	[sflag:s7] =	ssyncadd.s32 $0xFFFFF000  }
0x207: {  	[hbm4b:s0+s2] =	stream.linear.scatter [tilespmem:s5], [sflag:$0x2], $0x1000, $0x38;
	[tilespmem:$0x2000] =	vst v63  }
0x208: {  	_ =	swait.ge [sflag:s4], $0x1000  }
0x209: {  	[sflag:s4] =	ssyncset.done $0x0  }
0x20a: {  	[sflag:s4] =	ssyncadd.s32 $0xFFFFF000  }
0x20b: {  	[tilespmem:s5], [sflag:$0x1] =	stream.indirect.gather [hbm4b:s3+s6], $0x20, s19, s6, $0xb8;
	[tilespmem:$0x2000] =	vst v63  }
0x20c: {  	_ =	swait.ge [sflag:s7], $0x1000  }
0x20d: {  	[sflag:s7] =	ssyncset.done $0x0  }
0x20e: {  	s0 =	rddreg [dreg:$0x1b];
	[sflag:s7] =	ssyncadd.s32 $0xFFFFF000  }
0x20f: {  	[hbm4b:s0+s2] =	stream.linear.scatter [tilespmem:s5], [sflag:$0x2], $0x1000, $0x38;
	[tilespmem:$0x2000] =	vst v63  }
0x210: {  	_ =	swait.ge [sflag:s4], $0x1000  }
0x211: {  	[sflag:s4] =	ssyncset.done $0x0  }
0x212: {  	[sflag:s4] =	ssyncadd.s32 $0xFFFFF000  }
0x213: {  	[tilespmem:s5], [sflag:$0x1] =	stream.indirect.gather [hbm4b:s3+s6], $0x20, s18, s6, $0xb8;
	[tilespmem:$0x2000] =	vst v63  }
0x214: {  	_ =	swait.ge [sflag:s7], $0x1000  }
0x215: {  	[sflag:s7] =	ssyncset.done $0x0  }
0x216: {  	s0 =	rddreg [dreg:$0x1c];
	[sflag:s7] =	ssyncadd.s32 $0xFFFFF000  }
0x217: {  	[hbm4b:s0+s2] =	stream.linear.scatter [tilespmem:s5], [sflag:$0x2], $0x1000, $0x38;
	[tilespmem:$0x2000] =	vst v63  }
0x218: {  	_ =	swait.ge [sflag:s4], $0x1000  }
0x219: {  	[sflag:s4] =	ssyncset.done $0x0  }
0x21a: {  	[sflag:s4] =	ssyncadd.s32 $0xFFFFF000  }
0x21b: {  	[tilespmem:s5], [sflag:$0x1] =	stream.indirect.gather [hbm4b:s3+s6], $0x20, s17, s6, $0xb8;
	[tilespmem:$0x2000] =	vst v63  }
0x21c: {  	_ =	swait.ge [sflag:s7], $0x1000  }
0x21d: {  	[sflag:s7] =	ssyncset.done $0x0  }
0x21e: {  	s0 =	rddreg [dreg:$0x1d];
	[sflag:s7] =	ssyncadd.s32 $0xFFFFF000  }
0x21f: {  	[hbm4b:s0+s2] =	stream.linear.scatter [tilespmem:s5], [sflag:$0x2], $0x1000, $0x38;
	[tilespmem:$0x2000] =	vst v63  }
0x220: {  	_ =	swait.ge [sflag:s4], $0x1000  }
0x221: {  	[sflag:s4] =	ssyncset.done $0x0  }
0x222: {  	[sflag:s4] =	ssyncadd.s32 $0xFFFFF000  }
0x223: {  	[tilespmem:s5], [sflag:$0x1] =	stream.indirect.gather [hbm4b:s3+s6], $0x20, s16, s6, $0xb8;
	[tilespmem:$0x2000] =	vst v63  }
0x224: {  	_ =	swait.ge [sflag:s7], $0x1000  }
0x225: {  	[sflag:s7] =	ssyncset.done $0x0  }
0x226: {  	s0 =	rddreg [dreg:$0x1e];
	[sflag:s7] =	ssyncadd.s32 $0xFFFFF000  }
0x227: {  	[hbm4b:s0+s2] =	stream.linear.scatter [tilespmem:s5], [sflag:$0x2], $0x1000, $0x38;
	[tilespmem:$0x2000] =	vst v63  }
0x228: {  	_ =	swait.ge [sflag:s4], $0x1000  }
0x229: {  	[sflag:s4] =	ssyncset.done $0x0  }
0x22a: {  	[sflag:s4] =	ssyncadd.s32 $0xFFFFF000  }
0x22b: {  	[tilespmem:s5], [sflag:$0x1] =	stream.indirect.gather [hbm4b:s3+s6], $0x20, s12, s6, $0xb8;
	[tilespmem:$0x2000] =	vst v63  }
0x22c: {  	_ =	swait.ge [sflag:s7], $0x1000  }
0x22d: {  	[sflag:s7] =	ssyncset.done $0x0  }
0x22e: {  	s0 =	rddreg [dreg:$0x1f];
	[sflag:s7] =	ssyncadd.s32 $0xFFFFF000  }
0x22f: {  	[hbm4b:s0+s2] =	stream.linear.scatter [tilespmem:s5], [sflag:$0x2], $0x1000, $0x38;
	[tilespmem:$0x2000] =	vst v63  }
0x230: {  	_ =	swait.ge [sflag:s4], $0x1000  }
0x231: {  	[sflag:s4] =	ssyncset.done $0x0  }
0x232: {  	[sflag:s4] =	ssyncadd.s32 $0xFFFFF000  }
0x233: {  	[tilespmem:s5], [sflag:$0x1] =	stream.indirect.gather [hbm4b:s3+s6], $0x20, s15, s6, $0xb8;
	[tilespmem:$0x2000] =	vst v63  }
0x234: {  	_ =	swait.ge [sflag:s7], $0x1000  }
0x235: {  	s0 =	sld [smem:$0x7F0]  }
0x236: {  	[sflag:s7] =	ssyncset.done $0x0  }
0x237: {  	[sflag:s7] =	ssyncadd.s32 $0xFFFFF000  }
0x238: {  	[hbm4b:s0+s2] =	stream.linear.scatter [tilespmem:s5], [sflag:$0x2], $0x1000, $0x38;
	[tilespmem:$0x2000] =	vst v63  }
0x239: {  	_ =	swait.ge [sflag:s4], $0x1000  }
0x23a: {  	[sflag:s4] =	ssyncset.done $0x0  }
0x23b: {  	[sflag:s4] =	ssyncadd.s32 $0xFFFFF000  }
0x23c: {  	[tilespmem:s5], [sflag:$0x1] =	stream.indirect.gather [hbm4b:s3+s6], $0x20, s14, s6, $0xb8;
	[tilespmem:$0x2000] =	vst v63  }
0x23d: {  	_ =	swait.ge [sflag:s7], $0x1000  }
0x23e: {  	s0 =	sld [smem:$0x7F1]  }
0x23f: {  	[sflag:s7] =	ssyncset.done $0x0  }
0x240: {  	[sflag:s7] =	ssyncadd.s32 $0xFFFFF000  }
0x241: {  	[hbm4b:s0+s2] =	stream.linear.scatter [tilespmem:s5], [sflag:$0x2], $0x1000, $0x38;
	[tilespmem:$0x2000] =	vst v63  }
0x242: {  	_ =	swait.ge [sflag:s4], $0x1000  }
0x243: {  	[sflag:s4] =	ssyncset.done $0x0  }
0x244: {  	[sflag:s4] =	ssyncadd.s32 $0xFFFFF000  }
0x245: {  	[tilespmem:s5], [sflag:$0x1] =	stream.indirect.gather [hbm4b:s3+s6], $0x20, s13, s6, $0xb8;
	[tilespmem:$0x2000] =	vst v63  }
0x246: {  	_ =	swait.ge [sflag:s7], $0x1000  }
0x247: {  	s0 =	sld [smem:$0x7F2]  }
0x248: {  	[sflag:s7] =	ssyncset.done $0x0  }
0x249: {  	[sflag:s7] =	ssyncadd.s32 $0xFFFFF000  }
0x24a: {  	[hbm4b:s0+s2] =	stream.linear.scatter [tilespmem:s5], [sflag:$0x2], $0x1000, $0x38;
	[tilespmem:$0x2000] =	vst v63  }
0x24b: {  	_ =	swait.ge [sflag:s4], $0x1000  }
0x24c: {  	[sflag:s4] =	ssyncset.done $0x0  }
0x24d: {  	[sflag:s4] =	ssyncadd.s32 $0xFFFFF000  }
0x24e: {  	[tilespmem:s5], [sflag:$0x1] =	stream.indirect.gather [hbm4b:s3+s6], $0x20, s11, s6, $0xb8;
	[tilespmem:$0x2000] =	vst v63  }
0x24f: {  	_ =	swait.ge [sflag:s7], $0x1000  }
0x250: {  	s0 =	sld [smem:$0x7F3]  }
0x251: {  	[sflag:s7] =	ssyncset.done $0x0  }
0x252: {  	[sflag:s7] =	ssyncadd.s32 $0xFFFFF000  }
0x253: {  	[hbm4b:s0+s2] =	stream.linear.scatter [tilespmem:s5], [sflag:$0x2], $0x1000, $0x38;
	[tilespmem:$0x2000] =	vst v63  }
0x254: {  	_ =	swait.ge [sflag:s4], $0x1000  }
0x255: {  	[sflag:s4] =	ssyncset.done $0x0  }
0x256: {  	[sflag:s4] =	ssyncadd.s32 $0xFFFFF000  }
0x257: {  	[tilespmem:s5], [sflag:$0x1] =	stream.indirect.gather [hbm4b:s3+s6], $0x20, s10, s6, $0xb8;
	[tilespmem:$0x2000] =	vst v63  }
0x258: {  	_ =	swait.ge [sflag:s7], $0x1000  }
0x259: {  	s0 =	sld [smem:$0x7F4]  }
0x25a: {  	[sflag:s7] =	ssyncset.done $0x0  }
0x25b: {  	[sflag:s7] =	ssyncadd.s32 $0xFFFFF000  }
0x25c: {  	[hbm4b:s0+s2] =	stream.linear.scatter [tilespmem:s5], [sflag:$0x2], $0x1000, $0x38;
	[tilespmem:$0x2000] =	vst v63  }
0x25d: {  	_ =	swait.ge [sflag:s4], $0x1000  }
0x25e: {  	[sflag:s4] =	ssyncset.done $0x0  }
0x25f: {  	[sflag:s4] =	ssyncadd.s32 $0xFFFFF000  }
0x260: {  	[tilespmem:s5], [sflag:$0x1] =	stream.indirect.gather [hbm4b:s3+s6], $0x20, s9, s6, $0xb8;
	[tilespmem:$0x2000] =	vst v63  }
0x261: {  	_ =	swait.ge [sflag:s7], $0x1000  }
0x262: {  	s0 =	sld [smem:$0x7F5]  }
0x263: {  	[sflag:s7] =	ssyncset.done $0x0  }
0x264: {  	[sflag:s7] =	ssyncadd.s32 $0xFFFFF000  }
0x265: {  	[hbm4b:s0+s2] =	stream.linear.scatter [tilespmem:s5], [sflag:$0x2], $0x1000, $0x38;
	[tilespmem:$0x2000] =	vst v63  }
0x266: {  	_ =	swait.ge [sflag:s4], $0x1000  }
0x267: {  	[sflag:s4] =	ssyncset.done $0x0  }
0x268: {  	[sflag:s4] =	ssyncadd.s32 $0xFFFFF000  }
0x269: {  	[tilespmem:s5], [sflag:$0x1] =	stream.indirect.gather [hbm4b:s3+s6], $0x20, s8, s6, $0xb8;
	[tilespmem:$0x2000] =	vst v63  }
0x26a: {  	_ =	swait.ge [sflag:s7], $0x1000  }
0x26b: {  	p1 =	sne.s32 s1, $0x1;
	s0 =	sld [smem:$0x7F6]  }
.Ltmp2:
0x26c: {  	[sflag:s7] =	ssyncset.done $0x0;
	(pc) =	sbr.rel @p1 .LBB2_2-.Ltmp2, $4  }
0x26d: {  	[sflag:s7] =	ssyncadd.s32 $0xFFFFF000  }
0x26e: {  	[hbm4b:s0+s2] =	stream.linear.scatter [tilespmem:s5], [sflag:$0x2], $0x1000, $0x38;
	[tilespmem:$0x2000] =	vst v63  }
0x26f: {  	_ =	swait.ge [sflag:s4], $0x1000  }
0x270: {  	s1 =	sadd.s32 $0xFFFFFFFF, s1;
	s0 =	rddreg [dreg:$0x3];
	[sflag:s4] =	ssyncset.done $0x0  }
.LBB2_3:
0x271: {  	[sflag:s4] =	ssyncadd.s32 @p0 $0xFFFFF000  }
0x272: {  	[tilespmem:s2], [sflag:$0x2] =	stream.linear.gather [hbm4b:s0+s2], $0x400, $0x38;
	[tilespmem:$0x2000] =	vst v63  }
0x273: {  	_ =	swait.ge [sflag:s4], $0x400  }
0x274: {  	[sflag:s4] =	ssyncset.done $0x0  }
0x275: {  	s1 =	rddreg [dreg:$0x4];
	[sflag:s4] =	ssyncadd.s32 $0xFFFFFC00  }
0x276: {  	[tilespmem:s31], [sflag:$0x2] =	stream.linear.gather [hbm4b:s1+s2], $0x400, $0x38;
	[tilespmem:$0x2000] =	vst v63  }
0x277: {  	_ =	swait.ge [sflag:s4], $0x400  }
0x278: {  	[sflag:s4] =	ssyncset.done $0x0  }
0x279: {  	s1 =	rddreg [dreg:$0x5];
	[sflag:s4] =	ssyncadd.s32 $0xFFFFFC00  }
0x27a: {  	[tilespmem:s21], [sflag:$0x2] =	stream.linear.gather [hbm4b:s1+s2], $0x400, $0x38;
	[tilespmem:$0x2000] =	vst v63  }
0x27b: {  	_ =	swait.ge [sflag:s4], $0x400  }
0x27c: {  	[sflag:s4] =	ssyncset.done $0x0  }
0x27d: {  	s1 =	rddreg [dreg:$0x6];
	[sflag:s4] =	ssyncadd.s32 $0xFFFFFC00  }
0x27e: {  	[tilespmem:s12], [sflag:$0x2] =	stream.linear.gather [hbm4b:s1+s2], $0x400, $0x38;
	[tilespmem:$0x2000] =	vst v63  }
0x27f: {  	_ =	swait.ge [sflag:s4], $0x400  }
0x280: {  	[sflag:s4] =	ssyncset.done $0x0  }
0x281: {  	[sflag:s4] =	ssyncadd.s32 $0xFFFFFC00  }
0x282: {  	[tilespmem:s5], [sflag:$0x1] =	stream.indirect.gather [hbm4b:s3+s6], $0x20, s2, s6, $0xb8;
	[tilespmem:$0x2000] =	vst v63  }
0x283: {  	_ =	swait.ge [sflag:s7], $0x1000  }
0x284: {  	[sflag:s7] =	ssyncset.done $0x0  }
0x285: {  	s1 =	rddreg [dreg:$0x7];
	[sflag:s7] =	ssyncadd.s32 $0xFFFFF000  }
0x286: {  	[hbm4b:s1+s2] =	stream.linear.scatter [tilespmem:s5], [sflag:$0x2], $0x1000, $0x38;
	[tilespmem:$0x2000] =	vst v63  }
0x287: {  	_ =	swait.ge [sflag:s4], $0x1000  }
0x288: {  	[sflag:s4] =	ssyncset.done $0x0  }
0x289: {  	[sflag:s4] =	ssyncadd.s32 $0xFFFFF000  }
0x28a: {  	[tilespmem:s5], [sflag:$0x1] =	stream.indirect.gather [hbm4b:s3+s6], $0x20, s6, s6, $0xb8;
	[tilespmem:$0x2000] =	vst v63  }
0x28b: {  	_ =	swait.ge [sflag:s7], $0x1000  }
0x28c: {  	[sflag:s7] =	ssyncset.done $0x0  }
0x28d: {  	s1 =	rddreg [dreg:$0x8];
	[sflag:s7] =	ssyncadd.s32 $0xFFFFF000  }
0x28e: {  	[hbm4b:s1+s2] =	stream.linear.scatter [tilespmem:s5], [sflag:$0x2], $0x1000, $0x38;
	[tilespmem:$0x2000] =	vst v63  }
0x28f: {  	_ =	swait.ge [sflag:s4], $0x1000  }
0x290: {  	s1 =	sld [smem:$0x7F7]  }
0x291: {  	[sflag:s4] =	ssyncset.done $0x0  }
0x292: {  	[sflag:s4] =	ssyncadd.s32 $0xFFFFF000  }
0x293: {  	[tilespmem:s5], [sflag:$0x1] =	stream.indirect.gather [hbm4b:s3+s6], $0x20, s1, s6, $0xb8;
	[tilespmem:$0x2000] =	vst v63  }
0x294: {  	_ =	swait.ge [sflag:s7], $0x1000  }
0x295: {  	[sflag:s7] =	ssyncset.done $0x0  }
0x296: {  	s1 =	rddreg [dreg:$0x9];
	[sflag:s7] =	ssyncadd.s32 $0xFFFFF000  }
0x297: {  	[hbm4b:s1+s2] =	stream.linear.scatter [tilespmem:s5], [sflag:$0x2], $0x1000, $0x38;
	[tilespmem:$0x2000] =	vst v63  }
0x298: {  	_ =	swait.ge [sflag:s4], $0x1000  }
0x299: {  	s1 =	sld [smem:$0x7F8]  }
0x29a: {  	[sflag:s4] =	ssyncset.done $0x0  }
0x29b: {  	[sflag:s4] =	ssyncadd.s32 $0xFFFFF000  }
0x29c: {  	[tilespmem:s5], [sflag:$0x1] =	stream.indirect.gather [hbm4b:s3+s6], $0x20, s1, s6, $0xb8;
	[tilespmem:$0x2000] =	vst v63  }
0x29d: {  	_ =	swait.ge [sflag:s7], $0x1000  }
0x29e: {  	[sflag:s7] =	ssyncset.done $0x0  }
0x29f: {  	s1 =	rddreg [dreg:$0xa];
	[sflag:s7] =	ssyncadd.s32 $0xFFFFF000  }
0x2a0: {  	[hbm4b:s1+s2] =	stream.linear.scatter [tilespmem:s5], [sflag:$0x2], $0x1000, $0x38;
	[tilespmem:$0x2000] =	vst v63  }
0x2a1: {  	_ =	swait.ge [sflag:s4], $0x1000  }
0x2a2: {  	s1 =	sld [smem:$0x7F9]  }
0x2a3: {  	[sflag:s4] =	ssyncset.done $0x0  }
0x2a4: {  	[sflag:s4] =	ssyncadd.s32 $0xFFFFF000  }
0x2a5: {  	[tilespmem:s5], [sflag:$0x1] =	stream.indirect.gather [hbm4b:s3+s6], $0x20, s1, s6, $0xb8;
	[tilespmem:$0x2000] =	vst v63  }
0x2a6: {  	_ =	swait.ge [sflag:s7], $0x1000  }
0x2a7: {  	[sflag:s7] =	ssyncset.done $0x0  }
0x2a8: {  	s1 =	rddreg [dreg:$0xb];
	[sflag:s7] =	ssyncadd.s32 $0xFFFFF000  }
0x2a9: {  	[hbm4b:s1+s2] =	stream.linear.scatter [tilespmem:s5], [sflag:$0x2], $0x1000, $0x38;
	[tilespmem:$0x2000] =	vst v63  }
0x2aa: {  	_ =	swait.ge [sflag:s4], $0x1000  }
0x2ab: {  	s1 =	sld [smem:$0x7FA]  }
0x2ac: {  	[sflag:s4] =	ssyncset.done $0x0  }
0x2ad: {  	[sflag:s4] =	ssyncadd.s32 $0xFFFFF000  }
0x2ae: {  	[tilespmem:s5], [sflag:$0x1] =	stream.indirect.gather [hbm4b:s3+s6], $0x20, s1, s6, $0xb8;
	[tilespmem:$0x2000] =	vst v63  }
0x2af: {  	_ =	swait.ge [sflag:s7], $0x1000  }
0x2b0: {  	[sflag:s7] =	ssyncset.done $0x0  }
0x2b1: {  	s1 =	rddreg [dreg:$0xc];
	[sflag:s7] =	ssyncadd.s32 $0xFFFFF000  }
0x2b2: {  	[hbm4b:s1+s2] =	stream.linear.scatter [tilespmem:s5], [sflag:$0x2], $0x1000, $0x38;
	[tilespmem:$0x2000] =	vst v63  }
0x2b3: {  	_ =	swait.ge [sflag:s4], $0x1000  }
0x2b4: {  	s1 =	sld [smem:$0x7FB]  }
0x2b5: {  	[sflag:s4] =	ssyncset.done $0x0  }
0x2b6: {  	[sflag:s4] =	ssyncadd.s32 $0xFFFFF000  }
0x2b7: {  	[tilespmem:s5], [sflag:$0x1] =	stream.indirect.gather [hbm4b:s3+s6], $0x20, s1, s6, $0xb8;
	[tilespmem:$0x2000] =	vst v63  }
0x2b8: {  	_ =	swait.ge [sflag:s7], $0x1000  }
0x2b9: {  	[sflag:s7] =	ssyncset.done $0x0  }
0x2ba: {  	s1 =	rddreg [dreg:$0xd];
	[sflag:s7] =	ssyncadd.s32 $0xFFFFF000  }
0x2bb: {  	[hbm4b:s1+s2] =	stream.linear.scatter [tilespmem:s5], [sflag:$0x2], $0x1000, $0x38;
	[tilespmem:$0x2000] =	vst v63  }
0x2bc: {  	_ =	swait.ge [sflag:s4], $0x1000  }
0x2bd: {  	s1 =	sld [smem:$0x7FC]  }
0x2be: {  	[sflag:s4] =	ssyncset.done $0x0  }
0x2bf: {  	[sflag:s4] =	ssyncadd.s32 $0xFFFFF000  }
0x2c0: {  	[tilespmem:s5], [sflag:$0x1] =	stream.indirect.gather [hbm4b:s3+s6], $0x20, s1, s6, $0xb8;
	[tilespmem:$0x2000] =	vst v63  }
0x2c1: {  	_ =	swait.ge [sflag:s7], $0x1000  }
0x2c2: {  	[sflag:s7] =	ssyncset.done $0x0  }
0x2c3: {  	s1 =	rddreg [dreg:$0xe];
	[sflag:s7] =	ssyncadd.s32 $0xFFFFF000  }
0x2c4: {  	[hbm4b:s1+s2] =	stream.linear.scatter [tilespmem:s5], [sflag:$0x2], $0x1000, $0x38;
	[tilespmem:$0x2000] =	vst v63  }
0x2c5: {  	_ =	swait.ge [sflag:s4], $0x1000  }
0x2c6: {  	[sflag:s4] =	ssyncset.done $0x0  }
0x2c7: {  	[sflag:s4] =	ssyncadd.s32 $0xFFFFF000  }
0x2c8: {  	[tilespmem:s5], [sflag:$0x1] =	stream.indirect.gather [hbm4b:s3+s6], $0x20, s31, s6, $0xb8;
	[tilespmem:$0x2000] =	vst v63  }
0x2c9: {  	_ =	swait.ge [sflag:s7], $0x1000  }
0x2ca: {  	[sflag:s7] =	ssyncset.done $0x0  }
0x2cb: {  	s31 =	rddreg [dreg:$0xf];
	[sflag:s7] =	ssyncadd.s32 $0xFFFFF000  }
0x2cc: {  	[hbm4b:s31+s2] =	stream.linear.scatter [tilespmem:s5], [sflag:$0x2], $0x1000, $0x38;
	[tilespmem:$0x2000] =	vst v63  }
0x2cd: {  	_ =	swait.ge [sflag:s4], $0x1000  }
0x2ce: {  	s1 =	sld [smem:$0x7FD]  }
0x2cf: {  	[sflag:s4] =	ssyncset.done $0x0  }
0x2d0: {  	[sflag:s4] =	ssyncadd.s32 $0xFFFFF000  }
0x2d1: {  	[tilespmem:s5], [sflag:$0x1] =	stream.indirect.gather [hbm4b:s3+s6], $0x20, s1, s6, $0xb8;
	[tilespmem:$0x2000] =	vst v63  }
0x2d2: {  	_ =	swait.ge [sflag:s7], $0x1000  }
0x2d3: {  	[sflag:s7] =	ssyncset.done $0x0  }
0x2d4: {  	s31 =	rddreg [dreg:$0x10];
	[sflag:s7] =	ssyncadd.s32 $0xFFFFF000  }
0x2d5: {  	[hbm4b:s31+s2] =	stream.linear.scatter [tilespmem:s5], [sflag:$0x2], $0x1000, $0x38;
	[tilespmem:$0x2000] =	vst v63  }
0x2d6: {  	_ =	swait.ge [sflag:s4], $0x1000  }
0x2d7: {  	[sflag:s4] =	ssyncset.done $0x0  }
0x2d8: {  	[sflag:s4] =	ssyncadd.s32 $0xFFFFF000  }
0x2d9: {  	[tilespmem:s5], [sflag:$0x1] =	stream.indirect.gather [hbm4b:s3+s6], $0x20, s30, s6, $0xb8;
	[tilespmem:$0x2000] =	vst v63  }
0x2da: {  	_ =	swait.ge [sflag:s7], $0x1000  }
0x2db: {  	[sflag:s7] =	ssyncset.done $0x0  }
0x2dc: {  	s1 =	rddreg [dreg:$0x11];
	[sflag:s7] =	ssyncadd.s32 $0xFFFFF000  }
0x2dd: {  	[hbm4b:s1+s2] =	stream.linear.scatter [tilespmem:s5], [sflag:$0x2], $0x1000, $0x38;
	[tilespmem:$0x2000] =	vst v63  }
0x2de: {  	_ =	swait.ge [sflag:s4], $0x1000  }
0x2df: {  	[sflag:s4] =	ssyncset.done $0x0  }
0x2e0: {  	[sflag:s4] =	ssyncadd.s32 $0xFFFFF000  }
0x2e1: {  	[tilespmem:s5], [sflag:$0x1] =	stream.indirect.gather [hbm4b:s3+s6], $0x20, s29, s6, $0xb8;
	[tilespmem:$0x2000] =	vst v63  }
0x2e2: {  	_ =	swait.ge [sflag:s7], $0x1000  }
0x2e3: {  	[sflag:s7] =	ssyncset.done $0x0  }
0x2e4: {  	s30 =	rddreg [dreg:$0x12];
	[sflag:s7] =	ssyncadd.s32 $0xFFFFF000  }
0x2e5: {  	[hbm4b:s30+s2] =	stream.linear.scatter [tilespmem:s5], [sflag:$0x2], $0x1000, $0x38;
	[tilespmem:$0x2000] =	vst v63  }
0x2e6: {  	_ =	swait.ge [sflag:s4], $0x1000  }
0x2e7: {  	[sflag:s4] =	ssyncset.done $0x0  }
0x2e8: {  	[sflag:s4] =	ssyncadd.s32 $0xFFFFF000  }
0x2e9: {  	[tilespmem:s5], [sflag:$0x1] =	stream.indirect.gather [hbm4b:s3+s6], $0x20, s28, s6, $0xb8;
	[tilespmem:$0x2000] =	vst v63  }
0x2ea: {  	_ =	swait.ge [sflag:s7], $0x1000  }
0x2eb: {  	[sflag:s7] =	ssyncset.done $0x0  }
0x2ec: {  	s31 =	rddreg [dreg:$0x13];
	[sflag:s7] =	ssyncadd.s32 $0xFFFFF000  }
0x2ed: {  	[hbm4b:s31+s2] =	stream.linear.scatter [tilespmem:s5], [sflag:$0x2], $0x1000, $0x38;
	[tilespmem:$0x2000] =	vst v63  }
0x2ee: {  	_ =	swait.ge [sflag:s4], $0x1000  }
0x2ef: {  	[sflag:s4] =	ssyncset.done $0x0  }
0x2f0: {  	[sflag:s4] =	ssyncadd.s32 $0xFFFFF000  }
0x2f1: {  	[tilespmem:s5], [sflag:$0x1] =	stream.indirect.gather [hbm4b:s3+s6], $0x20, s26, s6, $0xb8;
	[tilespmem:$0x2000] =	vst v63  }
0x2f2: {  	_ =	swait.ge [sflag:s7], $0x1000  }
0x2f3: {  	[sflag:s7] =	ssyncset.done $0x0  }
0x2f4: {  	s1 =	rddreg [dreg:$0x14];
	[sflag:s7] =	ssyncadd.s32 $0xFFFFF000  }
0x2f5: {  	[hbm4b:s1+s2] =	stream.linear.scatter [tilespmem:s5], [sflag:$0x2], $0x1000, $0x38;
	[tilespmem:$0x2000] =	vst v63  }
0x2f6: {  	_ =	swait.ge [sflag:s4], $0x1000  }
0x2f7: {  	[sflag:s4] =	ssyncset.done $0x0  }
0x2f8: {  	[sflag:s4] =	ssyncadd.s32 $0xFFFFF000  }
0x2f9: {  	[tilespmem:s5], [sflag:$0x1] =	stream.indirect.gather [hbm4b:s3+s6], $0x20, s25, s6, $0xb8;
	[tilespmem:$0x2000] =	vst v63  }
0x2fa: {  	_ =	swait.ge [sflag:s7], $0x1000  }
0x2fb: {  	[sflag:s7] =	ssyncset.done $0x0  }
0x2fc: {  	s25 =	rddreg [dreg:$0x15];
	[sflag:s7] =	ssyncadd.s32 $0xFFFFF000  }
0x2fd: {  	[hbm4b:s25+s2] =	stream.linear.scatter [tilespmem:s5], [sflag:$0x2], $0x1000, $0x38;
	[tilespmem:$0x2000] =	vst v63  }
0x2fe: {  	_ =	swait.ge [sflag:s4], $0x1000  }
0x2ff: {  	[sflag:s4] =	ssyncset.done $0x0  }
0x300: {  	[sflag:s4] =	ssyncadd.s32 $0xFFFFF000  }
0x301: {  	[tilespmem:s5], [sflag:$0x1] =	stream.indirect.gather [hbm4b:s3+s6], $0x20, s24, s6, $0xb8;
	[tilespmem:$0x2000] =	vst v63  }
0x302: {  	_ =	swait.ge [sflag:s7], $0x1000  }
0x303: {  	[sflag:s7] =	ssyncset.done $0x0  }
0x304: {  	s26 =	rddreg [dreg:$0x16];
	[sflag:s7] =	ssyncadd.s32 $0xFFFFF000  }
0x305: {  	[hbm4b:s26+s2] =	stream.linear.scatter [tilespmem:s5], [sflag:$0x2], $0x1000, $0x38;
	[tilespmem:$0x2000] =	vst v63  }
0x306: {  	_ =	swait.ge [sflag:s4], $0x1000  }
0x307: {  	[sflag:s4] =	ssyncset.done $0x0  }
0x308: {  	[sflag:s4] =	ssyncadd.s32 $0xFFFFF000  }
0x309: {  	[tilespmem:s5], [sflag:$0x1] =	stream.indirect.gather [hbm4b:s3+s6], $0x20, s21, s6, $0xb8;
	[tilespmem:$0x2000] =	vst v63  }
0x30a: {  	_ =	swait.ge [sflag:s7], $0x1000  }
0x30b: {  	[sflag:s7] =	ssyncset.done $0x0  }
0x30c: {  	s28 =	rddreg [dreg:$0x17];
	[sflag:s7] =	ssyncadd.s32 $0xFFFFF000  }
0x30d: {  	[hbm4b:s28+s2] =	stream.linear.scatter [tilespmem:s5], [sflag:$0x2], $0x1000, $0x38;
	[tilespmem:$0x2000] =	vst v63  }
0x30e: {  	_ =	swait.ge [sflag:s4], $0x1000  }
0x30f: {  	[sflag:s4] =	ssyncset.done $0x0  }
0x310: {  	[sflag:s4] =	ssyncadd.s32 $0xFFFFF000  }
0x311: {  	[tilespmem:s5], [sflag:$0x1] =	stream.indirect.gather [hbm4b:s3+s6], $0x20, s23, s6, $0xb8;
	[tilespmem:$0x2000] =	vst v63  }
0x312: {  	_ =	swait.ge [sflag:s7], $0x1000  }
0x313: {  	[sflag:s7] =	ssyncset.done $0x0  }
0x314: {  	s29 =	rddreg [dreg:$0x18];
	[sflag:s7] =	ssyncadd.s32 $0xFFFFF000  }
0x315: {  	[hbm4b:s29+s2] =	stream.linear.scatter [tilespmem:s5], [sflag:$0x2], $0x1000, $0x38;
	[tilespmem:$0x2000] =	vst v63  }
0x316: {  	_ =	swait.ge [sflag:s4], $0x1000  }
0x317: {  	[sflag:s4] =	ssyncset.done $0x0  }
0x318: {  	[sflag:s4] =	ssyncadd.s32 $0xFFFFF000  }
0x319: {  	[tilespmem:s5], [sflag:$0x1] =	stream.indirect.gather [hbm4b:s3+s6], $0x20, s22, s6, $0xb8;
	[tilespmem:$0x2000] =	vst v63  }
0x31a: {  	_ =	swait.ge [sflag:s7], $0x1000  }
0x31b: {  	[sflag:s7] =	ssyncset.done $0x0  }
0x31c: {  	s30 =	rddreg [dreg:$0x19];
	[sflag:s7] =	ssyncadd.s32 $0xFFFFF000  }
0x31d: {  	[hbm4b:s30+s2] =	stream.linear.scatter [tilespmem:s5], [sflag:$0x2], $0x1000, $0x38;
	[tilespmem:$0x2000] =	vst v63  }
0x31e: {  	_ =	swait.ge [sflag:s4], $0x1000  }
0x31f: {  	[sflag:s4] =	ssyncset.done $0x0  }
0x320: {  	[sflag:s4] =	ssyncadd.s32 $0xFFFFF000  }
0x321: {  	[tilespmem:s5], [sflag:$0x1] =	stream.indirect.gather [hbm4b:s3+s6], $0x20, s20, s6, $0xb8;
	[tilespmem:$0x2000] =	vst v63  }
0x322: {  	_ =	swait.ge [sflag:s7], $0x1000  }
0x323: {  	[sflag:s7] =	ssyncset.done $0x0  }
0x324: {  	s31 =	rddreg [dreg:$0x1a];
	[sflag:s7] =	ssyncadd.s32 $0xFFFFF000  }
0x325: {  	[hbm4b:s31+s2] =	stream.linear.scatter [tilespmem:s5], [sflag:$0x2], $0x1000, $0x38;
	[tilespmem:$0x2000] =	vst v63  }
0x326: {  	_ =	swait.ge [sflag:s4], $0x1000  }
0x327: {  	[sflag:s4] =	ssyncset.done $0x0  }
0x328: {  	[sflag:s4] =	ssyncadd.s32 $0xFFFFF000  }
0x329: {  	[tilespmem:s5], [sflag:$0x1] =	stream.indirect.gather [hbm4b:s3+s6], $0x20, s19, s6, $0xb8;
	[tilespmem:$0x2000] =	vst v63  }
0x32a: {  	_ =	swait.ge [sflag:s7], $0x1000  }
0x32b: {  	[sflag:s7] =	ssyncset.done $0x0  }
0x32c: {  	s1 =	rddreg [dreg:$0x1b];
	[sflag:s7] =	ssyncadd.s32 $0xFFFFF000  }
0x32d: {  	[hbm4b:s1+s2] =	stream.linear.scatter [tilespmem:s5], [sflag:$0x2], $0x1000, $0x38;
	[tilespmem:$0x2000] =	vst v63  }
0x32e: {  	_ =	swait.ge [sflag:s4], $0x1000  }
0x32f: {  	[sflag:s4] =	ssyncset.done $0x0  }
0x330: {  	[sflag:s4] =	ssyncadd.s32 $0xFFFFF000  }
0x331: {  	[tilespmem:s5], [sflag:$0x1] =	stream.indirect.gather [hbm4b:s3+s6], $0x20, s18, s6, $0xb8;
	[tilespmem:$0x2000] =	vst v63  }
0x332: {  	_ =	swait.ge [sflag:s7], $0x1000  }
0x333: {  	[sflag:s7] =	ssyncset.done $0x0  }
0x334: {  	s19 =	rddreg [dreg:$0x1c];
	[sflag:s7] =	ssyncadd.s32 $0xFFFFF000  }
0x335: {  	[hbm4b:s19+s2] =	stream.linear.scatter [tilespmem:s5], [sflag:$0x2], $0x1000, $0x38;
	[tilespmem:$0x2000] =	vst v63  }
0x336: {  	_ =	swait.ge [sflag:s4], $0x1000  }
0x337: {  	[sflag:s4] =	ssyncset.done $0x0  }
0x338: {  	[sflag:s4] =	ssyncadd.s32 $0xFFFFF000  }
0x339: {  	[tilespmem:s5], [sflag:$0x1] =	stream.indirect.gather [hbm4b:s3+s6], $0x20, s17, s6, $0xb8;
	[tilespmem:$0x2000] =	vst v63  }
0x33a: {  	_ =	swait.ge [sflag:s7], $0x1000  }
0x33b: {  	[sflag:s7] =	ssyncset.done $0x0  }
0x33c: {  	s20 =	rddreg [dreg:$0x1d];
	[sflag:s7] =	ssyncadd.s32 $0xFFFFF000  }
0x33d: {  	[hbm4b:s20+s2] =	stream.linear.scatter [tilespmem:s5], [sflag:$0x2], $0x1000, $0x38;
	[tilespmem:$0x2000] =	vst v63  }
0x33e: {  	_ =	swait.ge [sflag:s4], $0x1000  }
0x33f: {  	[sflag:s4] =	ssyncset.done $0x0  }
0x340: {  	[sflag:s4] =	ssyncadd.s32 $0xFFFFF000  }
0x341: {  	[tilespmem:s5], [sflag:$0x1] =	stream.indirect.gather [hbm4b:s3+s6], $0x20, s16, s6, $0xb8;
	[tilespmem:$0x2000] =	vst v63  }
0x342: {  	_ =	swait.ge [sflag:s7], $0x1000  }
0x343: {  	[sflag:s7] =	ssyncset.done $0x0  }
0x344: {  	s21 =	rddreg [dreg:$0x1e];
	[sflag:s7] =	ssyncadd.s32 $0xFFFFF000  }
0x345: {  	[hbm4b:s21+s2] =	stream.linear.scatter [tilespmem:s5], [sflag:$0x2], $0x1000, $0x38;
	[tilespmem:$0x2000] =	vst v63  }
0x346: {  	_ =	swait.ge [sflag:s4], $0x1000  }
0x347: {  	[sflag:s4] =	ssyncset.done $0x0  }
0x348: {  	[sflag:s4] =	ssyncadd.s32 $0xFFFFF000  }
0x349: {  	[tilespmem:s5], [sflag:$0x1] =	stream.indirect.gather [hbm4b:s3+s6], $0x20, s12, s6, $0xb8;
	[tilespmem:$0x2000] =	vst v63  }
0x34a: {  	_ =	swait.ge [sflag:s7], $0x1000  }
0x34b: {  	[sflag:s7] =	ssyncset.done $0x0  }
0x34c: {  	s22 =	rddreg [dreg:$0x1f];
	[sflag:s7] =	ssyncadd.s32 $0xFFFFF000  }
0x34d: {  	[hbm4b:s22+s2] =	stream.linear.scatter [tilespmem:s5], [sflag:$0x2], $0x1000, $0x38;
	[tilespmem:$0x2000] =	vst v63  }
0x34e: {  	_ =	swait.ge [sflag:s4], $0x1000  }
0x34f: {  	[sflag:s4] =	ssyncset.done $0x0  }
0x350: {  	[sflag:s4] =	ssyncadd.s32 $0xFFFFF000  }
0x351: {  	[tilespmem:s5], [sflag:$0x1] =	stream.indirect.gather [hbm4b:s3+s6], $0x20, s15, s6, $0xb8;
	[tilespmem:$0x2000] =	vst v63  }
0x352: {  	_ =	swait.ge [sflag:s7], $0x1000  }
0x353: {  	s23 =	sld [smem:$0x7F0]  }
0x354: {  	[sflag:s7] =	ssyncset.done $0x0  }
0x355: {  	[sflag:s7] =	ssyncadd.s32 $0xFFFFF000  }
0x356: {  	[hbm4b:s23+s2] =	stream.linear.scatter [tilespmem:s5], [sflag:$0x2], $0x1000, $0x38;
	[tilespmem:$0x2000] =	vst v63  }
0x357: {  	_ =	swait.ge [sflag:s4], $0x1000  }
0x358: {  	[sflag:s4] =	ssyncset.done $0x0  }
0x359: {  	[sflag:s4] =	ssyncadd.s32 $0xFFFFF000  }
0x35a: {  	[tilespmem:s5], [sflag:$0x1] =	stream.indirect.gather [hbm4b:s3+s6], $0x20, s14, s6, $0xb8;
	[tilespmem:$0x2000] =	vst v63  }
0x35b: {  	_ =	swait.ge [sflag:s7], $0x1000  }
0x35c: {  	s24 =	sld [smem:$0x7F1]  }
0x35d: {  	[sflag:s7] =	ssyncset.done $0x0  }
0x35e: {  	[sflag:s7] =	ssyncadd.s32 $0xFFFFF000  }
0x35f: {  	[hbm4b:s24+s2] =	stream.linear.scatter [tilespmem:s5], [sflag:$0x2], $0x1000, $0x38;
	[tilespmem:$0x2000] =	vst v63  }
0x360: {  	_ =	swait.ge [sflag:s4], $0x1000  }
0x361: {  	[sflag:s4] =	ssyncset.done $0x0  }
0x362: {  	[sflag:s4] =	ssyncadd.s32 $0xFFFFF000  }
0x363: {  	[tilespmem:s5], [sflag:$0x1] =	stream.indirect.gather [hbm4b:s3+s6], $0x20, s13, s6, $0xb8;
	[tilespmem:$0x2000] =	vst v63  }
0x364: {  	_ =	swait.ge [sflag:s7], $0x1000  }
0x365: {  	s25 =	sld [smem:$0x7F2]  }
0x366: {  	[sflag:s7] =	ssyncset.done $0x0  }
0x367: {  	[sflag:s7] =	ssyncadd.s32 $0xFFFFF000  }
0x368: {  	[hbm4b:s25+s2] =	stream.linear.scatter [tilespmem:s5], [sflag:$0x2], $0x1000, $0x38;
	[tilespmem:$0x2000] =	vst v63  }
0x369: {  	_ =	swait.ge [sflag:s4], $0x1000  }
0x36a: {  	[sflag:s4] =	ssyncset.done $0x0  }
0x36b: {  	[sflag:s4] =	ssyncadd.s32 $0xFFFFF000  }
0x36c: {  	[tilespmem:s5], [sflag:$0x1] =	stream.indirect.gather [hbm4b:s3+s6], $0x20, s11, s6, $0xb8;
	[tilespmem:$0x2000] =	vst v63  }
0x36d: {  	_ =	swait.ge [sflag:s7], $0x1000  }
0x36e: {  	s26 =	sld [smem:$0x7F3]  }
0x36f: {  	[sflag:s7] =	ssyncset.done $0x0  }
0x370: {  	[sflag:s7] =	ssyncadd.s32 $0xFFFFF000  }
0x371: {  	[hbm4b:s26+s2] =	stream.linear.scatter [tilespmem:s5], [sflag:$0x2], $0x1000, $0x38;
	[tilespmem:$0x2000] =	vst v63  }
0x372: {  	_ =	swait.ge [sflag:s4], $0x1000  }
0x373: {  	[sflag:s4] =	ssyncset.done $0x0  }
0x374: {  	[sflag:s4] =	ssyncadd.s32 $0xFFFFF000  }
0x375: {  	[tilespmem:s5], [sflag:$0x1] =	stream.indirect.gather [hbm4b:s3+s6], $0x20, s10, s6, $0xb8;
	[tilespmem:$0x2000] =	vst v63  }
0x376: {  	_ =	swait.ge [sflag:s7], $0x1000  }
0x377: {  	s28 =	sld [smem:$0x7F4]  }
0x378: {  	[sflag:s7] =	ssyncset.done $0x0  }
0x379: {  	[sflag:s7] =	ssyncadd.s32 $0xFFFFF000  }
0x37a: {  	[hbm4b:s28+s2] =	stream.linear.scatter [tilespmem:s5], [sflag:$0x2], $0x1000, $0x38;
	[tilespmem:$0x2000] =	vst v63  }
0x37b: {  	_ =	swait.ge [sflag:s4], $0x1000  }
0x37c: {  	[sflag:s4] =	ssyncset.done $0x0  }
0x37d: {  	[sflag:s4] =	ssyncadd.s32 $0xFFFFF000  }
0x37e: {  	[tilespmem:s5], [sflag:$0x1] =	stream.indirect.gather [hbm4b:s3+s6], $0x20, s9, s6, $0xb8;
	[tilespmem:$0x2000] =	vst v63  }
0x37f: {  	_ =	swait.ge [sflag:s7], $0x1000  }
0x380: {  	s29 =	sld [smem:$0x7F5]  }
0x381: {  	[sflag:s7] =	ssyncset.done $0x0  }
0x382: {  	[sflag:s7] =	ssyncadd.s32 $0xFFFFF000  }
0x383: {  	[hbm4b:s29+s2] =	stream.linear.scatter [tilespmem:s5], [sflag:$0x2], $0x1000, $0x38;
	[tilespmem:$0x2000] =	vst v63  }
0x384: {  	_ =	swait.ge [sflag:s4], $0x1000  }
0x385: {  	[sflag:s4] =	ssyncset.done $0x0  }
0x386: {  	[sflag:s4] =	ssyncadd.s32 $0xFFFFF000  }
0x387: {  	[tilespmem:s5], [sflag:$0x1] =	stream.indirect.gather [hbm4b:s3+s6], $0x20, s8, s6, $0xb8;
	[tilespmem:$0x2000] =	vst v63  }
0x388: {  	_ =	swait.ge [sflag:s7], $0x1000  }
0x389: {  	s30 =	sld [smem:$0x7F6]  }
0x38a: {  	[sflag:s7] =	ssyncset.done $0x0  }
0x38b: {  	[sflag:s7] =	ssyncadd.s32 $0xFFFFF000  }
0x38c: {  	[hbm4b:s30+s2] =	stream.linear.scatter [tilespmem:s5], [sflag:$0x2], $0x1000, $0x38;
	[tilespmem:$0x2000] =	vst v63  }
0x38d: {  	_ =	swait.ge [sflag:s4], $0x1000  }
0x38e: {  	[sflag:s4] =	ssyncset.done $0x0  }
0x38f: {  	[sflag:s4] =	ssyncadd.s32 $0xFFFFF000  }
0x390: {  	_ =	sfence.sel $0x180000  }
0x391: {  	[bflag:$0x0] =	sbarrier.arrive $0xFFFF  }
0x392: {  	_ =	strace $0x90000047  }
0x393: {  	s31 =	stileid.u32;
	[bflag:$0x2] =	sbarrier.arrive $0xFFFF  }
0x394: {  	p0 =	sne.s32 s31, $0x0;
	s0 =	rddreg [dreg:$0x2]  }
0x395: {  	s0 =	sadd.s32 @!p0 $0x100000, s0  }
0x396: {  	[sflag:s0] =	ssyncadd.tile.s32 @!p0 $0x1;
	_ =	shalt  }
.Lfunc_end2:
_tile_overlayer_lowered:
.L_overlay_start_2:
0x397: {  	(tag) =	ssettag $0x2  }
0x398: {  	s0 =	rddreg [dreg:$0x0];
	s2 =	stileid.u32  }
0x399: {  	s1 =	rddreg [dreg:$0x1];
	p0 =	sne.s32 s2, $0x0  }
0x39a: {  	s3 =	rddreg [dreg:$0x2];
	[bflag:$0x3] =	sbarrier.arrive $0xFFFF;
	s2 =	simm.s32 @!p0 $0x1C02  }
0x39b: {  	[timem:s3], [sflag:s2] =	dma.local @!p0 [hbm:s0], s1  }
0x39c: {  	s0 =	simm.s32 @!p0 $0x2  }
0x39d: {  	_ =	swait.ge @!p0 [sflag:s0], s1  }
0x39e: {  	s1 =	ssub.s32 @!p0 $0x0, s1;
	[sflag:s0] =	ssyncset.done @!p0 $0x0  }
0x39f: {  	[sflag:s0] =	ssyncadd.s32 @!p0 s1  }
0x3a0: {  	[bflag:$0x3] =	sbarrier.arrive $0xFFFF  }
0x3a1: {  	_ =	shalt  }

</sc_bundles>
